<compile_context>
chip_gen: v7x
topology: tpu7x:2x2x1
jax: 0.10.2.dev20260603
libtpu: 0.0.44.dev20260713+nightly
codegen_flags: <defaults>
</compile_context>

<pallas_src>
import functools

import jax
import jax.numpy as jnp
from jax import lax
from jax.experimental import pallas as pl
from jax.experimental.pallas import tpu as pltpu
from jax.experimental.pallas import tpu_sc as plsc

_info = plsc.get_sparse_core_info()
_NC, _NS, _L = _info.num_cores, _info.num_subcores, _info.num_lanes
_NW = _NC * _NS
_BPW = 3200
_NB_PAD = _NW * _BPW
_NVEC = _BPW // _L
_APT = 3136
_EPT = _APT * 3
_NA8 = _APT * _NW
_NEL = _EPT * _NW

_PARAMS = pltpu.CompilerParams(
    needs_layout_passes=False, use_tc_tiling_on_sc=False)


def _sc_interleave(cpad):
    mesh = plsc.VectorSubcoreMesh(core_axis_name="c", subcore_axis_name="s")

    @functools.partial(
        pl.kernel,
        out_type=jax.ShapeDtypeStruct((_NA8, 8), jnp.float32),
        mesh=mesh,
        compiler_params=_PARAMS,
        scratch_types=[
            pltpu.VMEM((_EPT,), jnp.float32),
            pltpu.VMEM((_APT, 8), jnp.float32),
        ],
    )
    def k(cflat_h, out_h, e_v, rows_v):
        wid = lax.axis_index("s") * _NC + lax.axis_index("c")
        pltpu.sync_copy(cflat_h.at[pl.ds(wid * _EPT, _EPT)], e_v)
        iota = lax.iota(jnp.int32, _L)

        def body(t, carry):
            off = t * _L
            e = off + iota
            v = e_v[pl.ds(off, _L)]
            a = (e * 21846) >> 16
            c = e - (a * 2 + a)
            plsc.store_scatter(rows_v, [a, c], v)
            return carry

        lax.fori_loop(0, _EPT // _L, body, 0)
        pltpu.sync_copy(rows_v, out_h.at[pl.ds(wid * _APT, _APT)])

    return k(cpad)


def _sc_energy(coords8, idx0, idx1, b0p, kbp):
    mesh = plsc.VectorSubcoreMesh(core_axis_name="c", subcore_axis_name="s")

    @functools.partial(
        pl.kernel,
        out_type=jax.ShapeDtypeStruct((_NW, _L), jnp.float32),
        mesh=mesh,
        compiler_params=_PARAMS,
        scratch_types=[
            pltpu.VMEM((_BPW,), jnp.int32),
            pltpu.VMEM((_BPW,), jnp.int32),
            pltpu.VMEM((_BPW, 8), jnp.float32),
            pltpu.VMEM((_BPW, 8), jnp.float32),
            pltpu.VMEM((_BPW,), jnp.float32),
            pltpu.VMEM((_BPW,), jnp.float32),
            pltpu.VMEM((_L,), jnp.float32),
            pltpu.SemaphoreType.DMA,
            pltpu.SemaphoreType.DMA,
        ],
    )
    def k(coords_h, i0_h, i1_h, b0_h, kb_h, out_h,
          i0_v, i1_v, ri_v, rj_v, b0_v, kb_v, acc_v, sem_i, sem_j):
        wid = lax.axis_index("s") * _NC + lax.axis_index("c")
        base = wid * _BPW
        half = _BPW // 2
        pltpu.sync_copy(i0_h.at[pl.ds(base, _BPW)], i0_v)
        pltpu.sync_copy(i1_h.at[pl.ds(base, _BPW)], i1_v)
        cp_ai = pltpu.async_copy(coords_h.at[i0_v.at[pl.ds(0, half)]],
                                 ri_v.at[pl.ds(0, half)], sem_i)
        cp_aj = pltpu.async_copy(coords_h.at[i1_v.at[pl.ds(0, half)]],
                                 rj_v.at[pl.ds(0, half)], sem_i)
        cp_bi = pltpu.async_copy(coords_h.at[i0_v.at[pl.ds(half, half)]],
                                 ri_v.at[pl.ds(half, half)], sem_j)
        cp_bj = pltpu.async_copy(coords_h.at[i1_v.at[pl.ds(half, half)]],
                                 rj_v.at[pl.ds(half, half)], sem_j)
        pltpu.sync_copy(b0_h.at[pl.ds(base, _BPW)], b0_v)
        pltpu.sync_copy(kb_h.at[pl.ds(base, _BPW)], kb_v)

        iota = lax.iota(jnp.int32, _L)
        c0 = jnp.zeros((_L,), jnp.int32)
        c1 = c0 + 1
        c2 = c0 + 2

        def body(t, acc):
            b = t * _L + iota
            xi = plsc.load_gather(ri_v, [b, c0])
            yi = plsc.load_gather(ri_v, [b, c1])
            zi = plsc.load_gather(ri_v, [b, c2])
            xj = plsc.load_gather(rj_v, [b, c0])
            yj = plsc.load_gather(rj_v, [b, c1])
            zj = plsc.load_gather(rj_v, [b, c2])
            dx = xi - xj
            dy = yi - yj
            dz = zi - zj
            s = dx * dx + dy * dy + dz * dz
            bits = lax.bitcast_convert_type(s, jnp.int32)
            y = lax.bitcast_convert_type(
                jnp.int32(0x5F3759DF) - (bits >> 1), jnp.float32)
            hs = 0.5 * s
            y = y * (1.5 - hs * y * y)
            y = y * (1.5 - hs * y * y)
            y = y * (1.5 - hs * y * y)
            r = s * y
            off = t * _L
            kb = kb_v[pl.ds(off, _L)]
            d = r - b0_v[pl.ds(off, _L)]
            return acc + (0.5 * kb) * (d * d)

        cp_ai.wait()
        cp_aj.wait()
        acc = lax.fori_loop(0, _NVEC // 2, body, jnp.zeros((_L,), jnp.float32),
                            unroll=2)
        cp_bi.wait()
        cp_bj.wait()
        acc = lax.fori_loop(_NVEC // 2, _NVEC, body, acc, unroll=2)
        acc_v[...] = acc
        pltpu.sync_copy(acc_v, out_h.at[wid])

    return k(coords8, idx0, idx1, b0p, kbp)


def kernel(coords, box, bonds, b0, k_bond):
    del box
    cpad = jnp.pad(jnp.reshape(coords, (-1,)), (0, _NEL - coords.size))
    coords8 = _sc_interleave(cpad)
    nb = b0.shape[0]
    pad = _NB_PAD - nb
    idx0 = jnp.pad(bonds[:, 0], (0, pad))
    idx1 = jnp.pad(bonds[:, 1], (0, pad))
    b0p = jnp.pad(b0, (0, pad))
    kbp = jnp.pad(k_bond, (0, pad))
    partials = _sc_energy(coords8, idx0, idx1, b0p, kbp)
    return jnp.sum(partials)

# --- scband reference (transcript-rebuilt; emitter-appended) ---
"""Pipeline reference for scband-harmonic-bond-torch-force-26207890440209 (READ-ONLY COPY).

The authoritative reference and input builder live on the scoring server;
editing this copy changes nothing except your own understanding.
"""

import jax, jax.numpy as jnp
import numpy as np

N_ATOMS = 100000
N_BONDS = 100000

def setup_inputs(seed: int = 0) -> dict:
    key = jax.random.key(seed)
    k1, k2, k3, k4, k5, k6 = jax.random.split(key, 6)
    coords = jax.random.normal(k1, (N_ATOMS, 3), dtype=jnp.float32) * 2.0
    box = jax.random.uniform(k2, (3, 3), dtype=jnp.float32) + jnp.eye(3, dtype=jnp.float32) * 10.0
    # bond indices: guarantee i != j so bond length is strictly positive
    col0 = jax.random.randint(k3, (N_BONDS,), 0, N_ATOMS)
    offset = jax.random.randint(k4, (N_BONDS,), 1, N_ATOMS)
    col1 = (col0 + offset) % N_ATOMS
    bonds = jnp.stack([col0, col1], axis=1).astype(jnp.int32)
    b0 = jax.random.uniform(k5, (N_BONDS,), dtype=jnp.float32) * 0.2 + 0.05  # nm
    k_bond = jax.random.uniform(k6, (N_BONDS,), dtype=jnp.float32) * 1e5 + 1e4  # kJ/mol/nm^2
    return {"coords": coords, "box": box, "bonds": bonds, "b0": b0, "k_bond": k_bond}

def reference(coords, box, bonds, b0, k_bond):
    # gather endpoint coordinates (SparseCore-style gathers)
    ri = jnp.take(coords, bonds[:, 0], axis=0)
    rj = jnp.take(coords, bonds[:, 1], axis=0)
    dr = ri - rj
    dist = jnp.sqrt(jnp.sum(dr * dr, axis=1))
    # OpenMM HarmonicBondForce convention: E = 0.5 * k * (r - b0)^2
    energy = jnp.sum(0.5 * k_bond * (dist - b0) ** 2)
    return energy

if __name__ == "__main__":
    import jax
    _d = setup_inputs()
    print(jax.jit(kernel)(*tuple(_d.values())))

</pallas_src>

<mosaic_0001>
#map = affine_map<(d0, d1) -> (0)>
#map1 = affine_map<(d0, d1) -> (0, 0)>
module attributes {stable_mosaic.version = 14 : i64} {
  func.func @k(%arg0: i32, %arg1: i32, %arg2: memref<301056xf32, #tpu.memory_space<hbm>>, %arg3: memref<100352x8xf32, #tpu.memory_space<hbm>>, %arg4: memref<9408xf32, #tpu.memory_space<vmem>>, %arg5: memref<3136x8xf32, #tpu.memory_space<vmem>>) attributes {dimension_semantics = [#tpu.dimension_semantics<core_parallel>, #tpu.dimension_semantics<subcore_parallel>], iteration_bounds = array<i64: 2, 16>, scalar_prefetch = 0 : i64, scratch_operands = 2 : i64, tpu.core_type = #tpu.core_type<sc_vector_subcore>, window_params = [{transform_indices = #map}, {transform_indices = #map1}]} {
    %mul3A = arith.constant 2 : i32
    %mul3A_0 = arith.muli %arg1, %mul3A : i32
    %add3A = arith.addi %mul3A_0, %arg0 : i32
    %mul3A_1 = arith.constant 9408 : i32
    %mul3A_2 = arith.muli %add3A, %mul3A_1 : i32
    "tpu.region"() ({
      %run_scoped3A = tpu.sem_alloc : memref<!tpu.dma_semaphore, #tpu.memory_space<semaphore_mem>>
      %dma_start3A = tpu.memref_slice %arg2[%mul3A_2] : memref<301056xf32, #tpu.memory_space<hbm>> -> memref<9408xf32, #tpu.memory_space<hbm>>
      %dma_start3A_10 = tpu.memref_slice %arg2[%mul3A_2] : memref<301056xf32, #tpu.memory_space<hbm>> -> memref<9408xf32, #tpu.memory_space<hbm>>
      tpu.enqueue_dma source(%dma_start3A_10 : memref<9408xf32, #tpu.memory_space<hbm>>) target(%arg4 : memref<9408xf32, #tpu.memory_space<vmem>>) target_semaphore(%run_scoped3A : memref<!tpu.dma_semaphore, #tpu.memory_space<semaphore_mem>>)
      %dma_wait3A = tpu.memref_slice %arg2[%mul3A_2] : memref<301056xf32, #tpu.memory_space<hbm>> -> memref<9408xf32, #tpu.memory_space<hbm>>
      %dma_wait3A_11 = tpu.memref_slice %arg2[%mul3A_2] : memref<301056xf32, #tpu.memory_space<hbm>> -> memref<9408xf32, #tpu.memory_space<hbm>>
      tpu.wait_dma2 semaphore(%run_scoped3A : memref<!tpu.dma_semaphore, #tpu.memory_space<semaphore_mem>>) src(%dma_wait3A_11 : memref<9408xf32, #tpu.memory_space<hbm>>) dst(%arg4 : memref<9408xf32, #tpu.memory_space<vmem>>)
      tpu.yield
    }) : () -> ()
    %iota3A = tpu.iota {dimensions = array<i32: 0>} : vector<16xi32>
    %scan3A = arith.constant 0 : i32
    %scan3A_3 = arith.constant 0 : i32
    %scan3A_4 = arith.constant 588 : i32
    %scan3A_5 = arith.addi %scan3A_3, %scan3A_4 : i32
    %scan3A_6 = arith.constant 1 : i32
    scf.for %scan3A_10 = %scan3A_3 to %scan3A_5 step %scan3A_6  : i32 {
      %mul3A_11 = arith.constant 16 : i32
      %mul3A_12 = arith.muli %scan3A_10, %mul3A_11 : i32
      %add3A_13 = vector.broadcast %mul3A_12 : i32 to vector<16xi32>
      %add3A_14 = arith.addi %add3A_13, %iota3A : vector<16xi32>
      %get3A = arith.index_cast %mul3A_12 : i32 to index
      %get3A_15 = tpu.vector_load %arg4[%get3A] {strides = array<i32>} : memref<9408xf32, #tpu.memory_space<vmem>>, vector<16xf32>,
      %mul3A_16 = arith.constant 21846 : i32
      %mul3A_17 = vector.broadcast %mul3A_16 : i32 to vector<16xi32>
      %mul3A_18 = arith.muli %add3A_14, %mul3A_17 : vector<16xi32>
      %shift_right_arithmetic3A = arith.constant 16 : i32
      %shift_right_arithmetic3A_19 = vector.broadcast %shift_right_arithmetic3A : i32 to vector<16xi32>
      %shift_right_arithmetic3A_20 = arith.shrsi %mul3A_18, %shift_right_arithmetic3A_19 : vector<16xi32>
      %mul3A_21 = arith.constant 2 : i32
      %mul3A_22 = vector.broadcast %mul3A_21 : i32 to vector<16xi32>
      %mul3A_23 = arith.muli %shift_right_arithmetic3A_20, %mul3A_22 : vector<16xi32>
      %add3A_24 = arith.addi %mul3A_23, %shift_right_arithmetic3A_20 : vector<16xi32>
      %sub3A = arith.subi %add3A_14, %add3A_24 : vector<16xi32>
      tpu.vector_store_idx %arg5[%shift_right_arithmetic3A_20, %sub3A], %get3A_15 : memref<3136x8xf32, #tpu.memory_space<vmem>>[vector<16xi32>, vector<16xi32>], vector<16xf32>,
    }
    %scan3A_7 = arith.constant 588 : i32
    %mul3A_8 = arith.constant 3136 : i32
    %mul3A_9 = arith.muli %add3A, %mul3A_8 : i32
    "tpu.region"() ({
      %run_scoped3A = tpu.sem_alloc : memref<!tpu.dma_semaphore, #tpu.memory_space<semaphore_mem>>
      %dma_start3A = arith.constant 0 : i32
      %dma_start3A_10 = tpu.memref_slice %arg3[%mul3A_9, %dma_start3A] : memref<100352x8xf32, #tpu.memory_space<hbm>> -> memref<3136x8xf32, #tpu.memory_space<hbm>>
      %dma_start3A_11 = arith.constant 0 : i32
      %dma_start3A_12 = tpu.memref_slice %arg3[%mul3A_9, %dma_start3A_11] : memref<100352x8xf32, #tpu.memory_space<hbm>> -> memref<3136x8xf32, #tpu.memory_space<hbm>>
      tpu.enqueue_dma source(%arg5 : memref<3136x8xf32, #tpu.memory_space<vmem>>) target(%dma_start3A_12 : memref<3136x8xf32, #tpu.memory_space<hbm>>) target_semaphore(%run_scoped3A : memref<!tpu.dma_semaphore, #tpu.memory_space<semaphore_mem>>)
      %dma_wait3A = arith.constant 0 : i32
      %dma_wait3A_13 = tpu.memref_slice %arg3[%mul3A_9, %dma_wait3A] : memref<100352x8xf32, #tpu.memory_space<hbm>> -> memref<3136x8xf32, #tpu.memory_space<hbm>>
      %dma_wait3A_14 = arith.constant 0 : i32
      %dma_wait3A_15 = tpu.memref_slice %arg3[%mul3A_9, %dma_wait3A_14] : memref<100352x8xf32, #tpu.memory_space<hbm>> -> memref<3136x8xf32, #tpu.memory_space<hbm>>
      tpu.wait_dma2 semaphore(%run_scoped3A : memref<!tpu.dma_semaphore, #tpu.memory_space<semaphore_mem>>) src(%arg5 : memref<3136x8xf32, #tpu.memory_space<vmem>>) dst(%dma_wait3A_15 : memref<3136x8xf32, #tpu.memory_space<hbm>>)
      tpu.yield
    }) : () -> ()
    return
  }
}

#map = affine_map<(d0, d1) -> (0, 0)>
#map1 = affine_map<(d0, d1) -> (0)>
module attributes {stable_mosaic.version = 14 : i64} {
  func.func @k(%arg0: i32, %arg1: i32, %arg2: memref<100352x8xf32, #tpu.memory_space<hbm>>, %arg3: memref<102400xi32, #tpu.memory_space<hbm>>, %arg4: memref<102400xi32, #tpu.memory_space<hbm>>, %arg5: memref<102400xf32, #tpu.memory_space<hbm>>, %arg6: memref<102400xf32, #tpu.memory_space<hbm>>, %arg7: memref<32x16xf32, #tpu.memory_space<hbm>>, %arg8: memref<3200xi32, #tpu.memory_space<vmem>>, %arg9: memref<3200xi32, #tpu.memory_space<vmem>>, %arg10: memref<3200x8xf32, #tpu.memory_space<vmem>>, %arg11: memref<3200x8xf32, #tpu.memory_space<vmem>>, %arg12: memref<3200xf32, #tpu.memory_space<vmem>>, %arg13: memref<3200xf32, #tpu.memory_space<vmem>>, %arg14: memref<16xf32, #tpu.memory_space<vmem>>, %arg15: memref<!tpu.dma_semaphore, #tpu.memory_space<semaphore_mem>>, %arg16: memref<!tpu.dma_semaphore, #tpu.memory_space<semaphore_mem>>) attributes {dimension_semantics = [#tpu.dimension_semantics<core_parallel>, #tpu.dimension_semantics<subcore_parallel>], iteration_bounds = array<i64: 2, 16>, scalar_prefetch = 0 : i64, scratch_operands = 9 : i64, tpu.core_type = #tpu.core_type<sc_vector_subcore>, window_params = [{transform_indices = #map}, {transform_indices = #map1}, {transform_indices = #map1}, {transform_indices = #map1}, {transform_indices = #map1}, {transform_indices = #map}]} {
    %mul3A = arith.constant 2 : i32
    %mul3A_0 = arith.muli %arg1, %mul3A : i32
    %add3A = arith.addi %mul3A_0, %arg0 : i32
    %mul3A_1 = arith.constant 3200 : i32
    %mul3A_2 = arith.muli %add3A, %mul3A_1 : i32
    "tpu.region"() ({
      %run_scoped3A = tpu.sem_alloc : memref<!tpu.dma_semaphore, #tpu.memory_space<semaphore_mem>>
      %dma_start3A_86 = tpu.memref_slice %arg3[%mul3A_2] : memref<102400xi32, #tpu.memory_space<hbm>> -> memref<3200xi32, #tpu.memory_space<hbm>>
      %dma_start3A_87 = tpu.memref_slice %arg3[%mul3A_2] : memref<102400xi32, #tpu.memory_space<hbm>> -> memref<3200xi32, #tpu.memory_space<hbm>>
      tpu.enqueue_dma source(%dma_start3A_87 : memref<3200xi32, #tpu.memory_space<hbm>>) target(%arg8 : memref<3200xi32, #tpu.memory_space<vmem>>) target_semaphore(%run_scoped3A : memref<!tpu.dma_semaphore, #tpu.memory_space<semaphore_mem>>)
      %dma_wait3A_88 = tpu.memref_slice %arg3[%mul3A_2] : memref<102400xi32, #tpu.memory_space<hbm>> -> memref<3200xi32, #tpu.memory_space<hbm>>
      %dma_wait3A_89 = tpu.memref_slice %arg3[%mul3A_2] : memref<102400xi32, #tpu.memory_space<hbm>> -> memref<3200xi32, #tpu.memory_space<hbm>>
      tpu.wait_dma2 semaphore(%run_scoped3A : memref<!tpu.dma_semaphore, #tpu.memory_space<semaphore_mem>>) src(%dma_wait3A_89 : memref<3200xi32, #tpu.memory_space<hbm>>) dst(%arg8 : memref<3200xi32, #tpu.memory_space<vmem>>)
      tpu.yield
    }) : () -> ()
    "tpu.region"() ({
      %run_scoped3A = tpu.sem_alloc : memref<!tpu.dma_semaphore, #tpu.memory_space<semaphore_mem>>
      %dma_start3A_86 = tpu.memref_slice %arg4[%mul3A_2] : memref<102400xi32, #tpu.memory_space<hbm>> -> memref<3200xi32, #tpu.memory_space<hbm>>
      %dma_start3A_87 = tpu.memref_slice %arg4[%mul3A_2] : memref<102400xi32, #tpu.memory_space<hbm>> -> memref<3200xi32, #tpu.memory_space<hbm>>
      tpu.enqueue_dma source(%dma_start3A_87 : memref<3200xi32, #tpu.memory_space<hbm>>) target(%arg9 : memref<3200xi32, #tpu.memory_space<vmem>>) target_semaphore(%run_scoped3A : memref<!tpu.dma_semaphore, #tpu.memory_space<semaphore_mem>>)
      %dma_wait3A_88 = tpu.memref_slice %arg4[%mul3A_2] : memref<102400xi32, #tpu.memory_space<hbm>> -> memref<3200xi32, #tpu.memory_space<hbm>>
      %dma_wait3A_89 = tpu.memref_slice %arg4[%mul3A_2] : memref<102400xi32, #tpu.memory_space<hbm>> -> memref<3200xi32, #tpu.memory_space<hbm>>
      tpu.wait_dma2 semaphore(%run_scoped3A : memref<!tpu.dma_semaphore, #tpu.memory_space<semaphore_mem>>) src(%dma_wait3A_89 : memref<3200xi32, #tpu.memory_space<hbm>>) dst(%arg9 : memref<3200xi32, #tpu.memory_space<vmem>>)
      tpu.yield
    }) : () -> ()
    %dma_start3A = arith.constant 0 : i32
    %dma_start3A_3 = arith.constant 0 : i32
    %dma_start3A_4 = tpu.memref_slice %arg10[%dma_start3A, %dma_start3A_3] : memref<3200x8xf32, #tpu.memory_space<vmem>> -> memref<1600x8xf32, #tpu.memory_space<vmem>>
    %dma_start3A_5 = arith.constant 0 : i32
    %dma_start3A_6 = tpu.memref_slice %arg8[%dma_start3A_5] : memref<3200xi32, #tpu.memory_space<vmem>> -> memref<1600xi32, #tpu.memory_space<vmem>>
    %dma_start3A_7 = arith.constant 0 : i32
    %dma_start3A_8 = arith.constant 0 : i32
    %dma_start3A_9 = tpu.memref_slice %arg2[%dma_start3A_7, %dma_start3A_8] : memref<100352x8xf32, #tpu.memory_space<hbm>> -> memref<100352x8xf32, #tpu.memory_space<hbm>>
    tpu.enqueue_indirect_dma source(%dma_start3A_9 : memref<100352x8xf32, #tpu.memory_space<hbm>>) target(%dma_start3A_4 : memref<1600x8xf32, #tpu.memory_space<vmem>>) offsets(%dma_start3A_6 : memref<1600xi32, #tpu.memory_space<vmem>>) semaphore(%arg15 : memref<!tpu.dma_semaphore, #tpu.memory_space<semaphore_mem>>)
    %dma_start3A_10 = arith.constant 0 : i32
    %dma_start3A_11 = arith.constant 0 : i32
    %dma_start3A_12 = tpu.memref_slice %arg11[%dma_start3A_10, %dma_start3A_11] : memref<3200x8xf32, #tpu.memory_space<vmem>> -> memref<1600x8xf32, #tpu.memory_space<vmem>>
    %dma_start3A_13 = arith.constant 0 : i32
    %dma_start3A_14 = tpu.memref_slice %arg9[%dma_start3A_13] : memref<3200xi32, #tpu.memory_space<vmem>> -> memref<1600xi32, #tpu.memory_space<vmem>>
    %dma_start3A_15 = arith.constant 0 : i32
    %dma_start3A_16 = arith.constant 0 : i32
    %dma_start3A_17 = tpu.memref_slice %arg2[%dma_start3A_15, %dma_start3A_16] : memref<100352x8xf32, #tpu.memory_space<hbm>> -> memref<100352x8xf32, #tpu.memory_space<hbm>>
    tpu.enqueue_indirect_dma source(%dma_start3A_17 : memref<100352x8xf32, #tpu.memory_space<hbm>>) target(%dma_start3A_12 : memref<1600x8xf32, #tpu.memory_space<vmem>>) offsets(%dma_start3A_14 : memref<1600xi32, #tpu.memory_space<vmem>>) semaphore(%arg15 : memref<!tpu.dma_semaphore, #tpu.memory_space<semaphore_mem>>)
    %dma_start3A_18 = arith.constant 1600 : i32
    %dma_start3A_19 = arith.constant 0 : i32
    %dma_start3A_20 = tpu.memref_slice %arg10[%dma_start3A_18, %dma_start3A_19] : memref<3200x8xf32, #tpu.memory_space<vmem>> -> memref<1600x8xf32, #tpu.memory_space<vmem>>
    %dma_start3A_21 = arith.constant 1600 : i32
    %dma_start3A_22 = tpu.memref_slice %arg8[%dma_start3A_21] : memref<3200xi32, #tpu.memory_space<vmem>> -> memref<1600xi32, #tpu.memory_space<vmem>>
    %dma_start3A_23 = arith.constant 0 : i32
    %dma_start3A_24 = arith.constant 0 : i32
    %dma_start3A_25 = tpu.memref_slice %arg2[%dma_start3A_23, %dma_start3A_24] : memref<100352x8xf32, #tpu.memory_space<hbm>> -> memref<100352x8xf32, #tpu.memory_space<hbm>>
    tpu.enqueue_indirect_dma source(%dma_start3A_25 : memref<100352x8xf32, #tpu.memory_space<hbm>>) target(%dma_start3A_20 : memref<1600x8xf32, #tpu.memory_space<vmem>>) offsets(%dma_start3A_22 : memref<1600xi32, #tpu.memory_space<vmem>>) semaphore(%arg16 : memref<!tpu.dma_semaphore, #tpu.memory_space<semaphore_mem>>)
    %dma_start3A_26 = arith.constant 1600 : i32
    %dma_start3A_27 = arith.constant 0 : i32
    %dma_start3A_28 = tpu.memref_slice %arg11[%dma_start3A_26, %dma_start3A_27] : memref<3200x8xf32, #tpu.memory_space<vmem>> -> memref<1600x8xf32, #tpu.memory_space<vmem>>
    %dma_start3A_29 = arith.constant 1600 : i32
    %dma_start3A_30 = tpu.memref_slice %arg9[%dma_start3A_29] : memref<3200xi32, #tpu.memory_space<vmem>> -> memref<1600xi32, #tpu.memory_space<vmem>>
    %dma_start3A_31 = arith.constant 0 : i32
    %dma_start3A_32 = arith.constant 0 : i32
    %dma_start3A_33 = tpu.memref_slice %arg2[%dma_start3A_31, %dma_start3A_32] : memref<100352x8xf32, #tpu.memory_space<hbm>> -> memref<100352x8xf32, #tpu.memory_space<hbm>>
    tpu.enqueue_indirect_dma source(%dma_start3A_33 : memref<100352x8xf32, #tpu.memory_space<hbm>>) target(%dma_start3A_28 : memref<1600x8xf32, #tpu.memory_space<vmem>>) offsets(%dma_start3A_30 : memref<1600xi32, #tpu.memory_space<vmem>>) semaphore(%arg16 : memref<!tpu.dma_semaphore, #tpu.memory_space<semaphore_mem>>)
    "tpu.region"() ({
      %run_scoped3A = tpu.sem_alloc : memref<!tpu.dma_semaphore, #tpu.memory_space<semaphore_mem>>
      %dma_start3A_86 = tpu.memref_slice %arg5[%mul3A_2] : memref<102400xf32, #tpu.memory_space<hbm>> -> memref<3200xf32, #tpu.memory_space<hbm>>
      %dma_start3A_87 = tpu.memref_slice %arg5[%mul3A_2] : memref<102400xf32, #tpu.memory_space<hbm>> -> memref<3200xf32, #tpu.memory_space<hbm>>
      tpu.enqueue_dma source(%dma_start3A_87 : memref<3200xf32, #tpu.memory_space<hbm>>) target(%arg12 : memref<3200xf32, #tpu.memory_space<vmem>>) target_semaphore(%run_scoped3A : memref<!tpu.dma_semaphore, #tpu.memory_space<semaphore_mem>>)
      %dma_wait3A_88 = tpu.memref_slice %arg5[%mul3A_2] : memref<102400xf32, #tpu.memory_space<hbm>> -> memref<3200xf32, #tpu.memory_space<hbm>>
      %dma_wait3A_89 = tpu.memref_slice %arg5[%mul3A_2] : memref<102400xf32, #tpu.memory_space<hbm>> -> memref<3200xf32, #tpu.memory_space<hbm>>
      tpu.wait_dma2 semaphore(%run_scoped3A : memref<!tpu.dma_semaphore, #tpu.memory_space<semaphore_mem>>) src(%dma_wait3A_89 : memref<3200xf32, #tpu.memory_space<hbm>>) dst(%arg12 : memref<3200xf32, #tpu.memory_space<vmem>>)
      tpu.yield
    }) : () -> ()
    "tpu.region"() ({
      %run_scoped3A = tpu.sem_alloc : memref<!tpu.dma_semaphore, #tpu.memory_space<semaphore_mem>>
      %dma_start3A_86 = tpu.memref_slice %arg6[%mul3A_2] : memref<102400xf32, #tpu.memory_space<hbm>> -> memref<3200xf32, #tpu.memory_space<hbm>>
      %dma_start3A_87 = tpu.memref_slice %arg6[%mul3A_2] : memref<102400xf32, #tpu.memory_space<hbm>> -> memref<3200xf32, #tpu.memory_space<hbm>>
      tpu.enqueue_dma source(%dma_start3A_87 : memref<3200xf32, #tpu.memory_space<hbm>>) target(%arg13 : memref<3200xf32, #tpu.memory_space<vmem>>) target_semaphore(%run_scoped3A : memref<!tpu.dma_semaphore, #tpu.memory_space<semaphore_mem>>)
      %dma_wait3A_88 = tpu.memref_slice %arg6[%mul3A_2] : memref<102400xf32, #tpu.memory_space<hbm>> -> memref<3200xf32, #tpu.memory_space<hbm>>
      %dma_wait3A_89 = tpu.memref_slice %arg6[%mul3A_2] : memref<102400xf32, #tpu.memory_space<hbm>> -> memref<3200xf32, #tpu.memory_space<hbm>>
      tpu.wait_dma2 semaphore(%run_scoped3A : memref<!tpu.dma_semaphore, #tpu.memory_space<semaphore_mem>>) src(%dma_wait3A_89 : memref<3200xf32, #tpu.memory_space<hbm>>) dst(%arg13 : memref<3200xf32, #tpu.memory_space<vmem>>)
      tpu.yield
    }) : () -> ()
    %iota3A = tpu.iota {dimensions = array<i32: 0>} : vector<16xi32>
    %broadcast_in_dim3A = arith.constant 0 : i32
    %broadcast_in_dim3A_34 = vector.broadcast %broadcast_in_dim3A : i32 to vector<16xi32>
    %add3A_35 = arith.constant 1 : i32
    %add3A_36 = vector.broadcast %add3A_35 : i32 to vector<16xi32>
    %add3A_37 = arith.addi %broadcast_in_dim3A_34, %add3A_36 : vector<16xi32>
    %add3A_38 = arith.constant 2 : i32
    %add3A_39 = vector.broadcast %add3A_38 : i32 to vector<16xi32>
    %add3A_40 = arith.addi %broadcast_in_dim3A_34, %add3A_39 : vector<16xi32>
    %dma_wait3A = arith.constant 0 : i32
    %dma_wait3A_41 = arith.constant 0 : i32
    %dma_wait3A_42 = tpu.memref_slice %arg10[%dma_wait3A, %dma_wait3A_41] : memref<3200x8xf32, #tpu.memory_space<vmem>> -> memref<1600x8xf32, #tpu.memory_space<vmem>>
    %dma_wait3A_43 = arith.constant 0 : i32
    %dma_wait3A_44 = tpu.memref_slice %arg8[%dma_wait3A_43] : memref<3200xi32, #tpu.memory_space<vmem>> -> memref<1600xi32, #tpu.memory_space<vmem>>
    %dma_wait3A_45 = arith.constant 0 : i32
    %dma_wait3A_46 = arith.constant 0 : i32
    %dma_wait3A_47 = tpu.memref_slice %arg2[%dma_wait3A_45, %dma_wait3A_46] : memref<100352x8xf32, #tpu.memory_space<hbm>> -> memref<100352x8xf32, #tpu.memory_space<hbm>>
    tpu.wait_indirect_dma semaphore(%arg15 : memref<!tpu.dma_semaphore, #tpu.memory_space<semaphore_mem>>) src(%dma_wait3A_47 : memref<100352x8xf32, #tpu.memory_space<hbm>>) dst(%dma_wait3A_42 : memref<1600x8xf32, #tpu.memory_space<vmem>>)
    %dma_wait3A_48 = arith.constant 0 : i32
    %dma_wait3A_49 = arith.constant 0 : i32
    %dma_wait3A_50 = tpu.memref_slice %arg11[%dma_wait3A_48, %dma_wait3A_49] : memref<3200x8xf32, #tpu.memory_space<vmem>> -> memref<1600x8xf32, #tpu.memory_space<vmem>>
    %dma_wait3A_51 = arith.constant 0 : i32
    %dma_wait3A_52 = tpu.memref_slice %arg9[%dma_wait3A_51] : memref<3200xi32, #tpu.memory_space<vmem>> -> memref<1600xi32, #tpu.memory_space<vmem>>
    %dma_wait3A_53 = arith.constant 0 : i32
    %dma_wait3A_54 = arith.constant 0 : i32
    %dma_wait3A_55 = tpu.memref_slice %arg2[%dma_wait3A_53, %dma_wait3A_54] : memref<100352x8xf32, #tpu.memory_space<hbm>> -> memref<100352x8xf32, #tpu.memory_space<hbm>>
    tpu.wait_indirect_dma semaphore(%arg15 : memref<!tpu.dma_semaphore, #tpu.memory_space<semaphore_mem>>) src(%dma_wait3A_55 : memref<100352x8xf32, #tpu.memory_space<hbm>>) dst(%dma_wait3A_50 : memref<1600x8xf32, #tpu.memory_space<vmem>>)
    %broadcast_in_dim3A_56 = arith.constant 0.000000e+00 : f32
    %broadcast_in_dim3A_57 = vector.broadcast %broadcast_in_dim3A_56 : f32 to vector<16xf32>
    %scan3A = arith.constant 0 : i32
    %scan3A_58 = arith.constant 100 : i32
    %scan3A_59 = arith.addi %scan3A, %scan3A_58 : i32
    %scan3A_60 = arith.constant 2 : i32
    %scan3A_61 = scf.for %scan3A_86 = %scan3A to %scan3A_59 step %scan3A_60 iter_args(%scan3A_87 = %broadcast_in_dim3A_57) -> (vector<16xf32>)  : i32 {
      %mul3A_88 = arith.constant 16 : i32
      %mul3A_89 = arith.muli %scan3A_86, %mul3A_88 : i32
      %add3A_90 = vector.broadcast %mul3A_89 : i32 to vector<16xi32>
      %add3A_91 = arith.addi %add3A_90, %iota3A : vector<16xi32>
      %gather3A = tpu.vector_load_idx %arg10[%add3A_91, %broadcast_in_dim3A_34] : memref<3200x8xf32, #tpu.memory_space<vmem>>[vector<16xi32>, vector<16xi32>], vector<16xf32>,
      %gather3A_92 = tpu.vector_load_idx %arg10[%add3A_91, %add3A_37] : memref<3200x8xf32, #tpu.memory_space<vmem>>[vector<16xi32>, vector<16xi32>], vector<16xf32>,
      %gather3A_93 = tpu.vector_load_idx %arg10[%add3A_91, %add3A_40] : memref<3200x8xf32, #tpu.memory_space<vmem>>[vector<16xi32>, vector<16xi32>], vector<16xf32>,
      %gather3A_94 = tpu.vector_load_idx %arg11[%add3A_91, %broadcast_in_dim3A_34] : memref<3200x8xf32, #tpu.memory_space<vmem>>[vector<16xi32>, vector<16xi32>], vector<16xf32>,
      %gather3A_95 = tpu.vector_load_idx %arg11[%add3A_91, %add3A_37] : memref<3200x8xf32, #tpu.memory_space<vmem>>[vector<16xi32>, vector<16xi32>], vector<16xf32>,
      %gather3A_96 = tpu.vector_load_idx %arg11[%add3A_91, %add3A_40] : memref<3200x8xf32, #tpu.memory_space<vmem>>[vector<16xi32>, vector<16xi32>], vector<16xf32>,
      %sub3A = arith.subf %gather3A, %gather3A_94 : vector<16xf32>
      %sub3A_97 = arith.subf %gather3A_92, %gather3A_95 : vector<16xf32>
      %sub3A_98 = arith.subf %gather3A_93, %gather3A_96 : vector<16xf32>
      %mul3A_99 = arith.mulf %sub3A, %sub3A : vector<16xf32>
      %mul3A_100 = arith.mulf %sub3A_97, %sub3A_97 : vector<16xf32>
      %add3A_101 = arith.addf %mul3A_99, %mul3A_100 : vector<16xf32>
      %mul3A_102 = arith.mulf %sub3A_98, %sub3A_98 : vector<16xf32>
      %add3A_103 = arith.addf %add3A_101, %mul3A_102 : vector<16xf32>
      %bitcast_convert_type3A = tpu.bitcast %add3A_103 : vector<16xf32> -> vector<16xi32>
      %shift_right_arithmetic3A = arith.constant 1 : i32
      %shift_right_arithmetic3A_104 = vector.broadcast %shift_right_arithmetic3A : i32 to vector<16xi32>
      %shift_right_arithmetic3A_105 = arith.shrsi %bitcast_convert_type3A, %shift_right_arithmetic3A_104 : vector<16xi32>
      %sub3A_106 = arith.constant 1597463007 : i32
      %sub3A_107 = vector.broadcast %sub3A_106 : i32 to vector<16xi32>
      %sub3A_108 = arith.subi %sub3A_107, %shift_right_arithmetic3A_105 : vector<16xi32>
      %bitcast_convert_type3A_109 = tpu.bitcast %sub3A_108 : vector<16xi32> -> vector<16xf32>
      %mul3A_110 = arith.constant 5.000000e-01 : f32
      %mul3A_111 = vector.broadcast %mul3A_110 : f32 to vector<16xf32>
      %mul3A_112 = arith.mulf %mul3A_111, %add3A_103 : vector<16xf32>
      %mul3A_113 = arith.mulf %mul3A_112, %bitcast_convert_type3A_109 : vector<16xf32>
      %mul3A_114 = arith.mulf %mul3A_113, %bitcast_convert_type3A_109 : vector<16xf32>
      %sub3A_115 = arith.constant 1.500000e+00 : f32
      %sub3A_116 = vector.broadcast %sub3A_115 : f32 to vector<16xf32>
      %sub3A_117 = arith.subf %sub3A_116, %mul3A_114 : vector<16xf32>
      %mul3A_118 = arith.mulf %bitcast_convert_type3A_109, %sub3A_117 : vector<16xf32>
      %mul3A_119 = arith.mulf %mul3A_112, %mul3A_118 : vector<16xf32>
      %mul3A_120 = arith.mulf %mul3A_119, %mul3A_118 : vector<16xf32>
      %sub3A_121 = arith.constant 1.500000e+00 : f32
      %sub3A_122 = vector.broadcast %sub3A_121 : f32 to vector<16xf32>
      %sub3A_123 = arith.subf %sub3A_122, %mul3A_120 : vector<16xf32>
      %mul3A_124 = arith.mulf %mul3A_118, %sub3A_123 : vector<16xf32>
      %mul3A_125 = arith.mulf %mul3A_112, %mul3A_124 : vector<16xf32>
      %mul3A_126 = arith.mulf %mul3A_125, %mul3A_124 : vector<16xf32>
      %sub3A_127 = arith.constant 1.500000e+00 : f32
      %sub3A_128 = vector.broadcast %sub3A_127 : f32 to vector<16xf32>
      %sub3A_129 = arith.subf %sub3A_128, %mul3A_126 : vector<16xf32>
      %mul3A_130 = arith.mulf %mul3A_124, %sub3A_129 : vector<16xf32>
      %mul3A_131 = arith.mulf %add3A_103, %mul3A_130 : vector<16xf32>
      %mul3A_132 = arith.constant 16 : i32
      %mul3A_133 = arith.muli %scan3A_86, %mul3A_132 : i32
      %get3A = arith.index_cast %mul3A_133 : i32 to index
      %get3A_134 = tpu.vector_load %arg13[%get3A] {strides = array<i32>} : memref<3200xf32, #tpu.memory_space<vmem>>, vector<16xf32>,
      %get3A_135 = arith.index_cast %mul3A_133 : i32 to index
      %get3A_136 = tpu.vector_load %arg12[%get3A_135] {strides = array<i32>} : memref<3200xf32, #tpu.memory_space<vmem>>, vector<16xf32>,
      %sub3A_137 = arith.subf %mul3A_131, %get3A_136 : vector<16xf32>
      %mul3A_138 = arith.constant 5.000000e-01 : f32
      %mul3A_139 = vector.broadcast %mul3A_138 : f32 to vector<16xf32>
      %mul3A_140 = arith.mulf %mul3A_139, %get3A_134 : vector<16xf32>
      %mul3A_141 = arith.mulf %sub3A_137, %sub3A_137 : vector<16xf32>
      %mul3A_142 = arith.mulf %mul3A_140, %mul3A_141 : vector<16xf32>
      %add3A_143 = arith.addf %scan3A_87, %mul3A_142 : vector<16xf32>
      %scan3A_144 = arith.constant 1 : i32
      %scan3A_145 = arith.addi %scan3A_86, %scan3A_144 : i32
      %mul3A_146 = arith.constant 16 : i32
      %mul3A_147 = arith.muli %scan3A_145, %mul3A_146 : i32
      %add3A_148 = vector.broadcast %mul3A_147 : i32 to vector<16xi32>
      %add3A_149 = arith.addi %add3A_148, %iota3A : vector<16xi32>
      %gather3A_150 = tpu.vector_load_idx %arg10[%add3A_149, %broadcast_in_dim3A_34] : memref<3200x8xf32, #tpu.memory_space<vmem>>[vector<16xi32>, vector<16xi32>], vector<16xf32>,
      %gather3A_151 = tpu.vector_load_idx %arg10[%add3A_149, %add3A_37] : memref<3200x8xf32, #tpu.memory_space<vmem>>[vector<16xi32>, vector<16xi32>], vector<16xf32>,
      %gather3A_152 = tpu.vector_load_idx %arg10[%add3A_149, %add3A_40] : memref<3200x8xf32, #tpu.memory_space<vmem>>[vector<16xi32>, vector<16xi32>], vector<16xf32>,
      %gather3A_153 = tpu.vector_load_idx %arg11[%add3A_149, %broadcast_in_dim3A_34] : memref<3200x8xf32, #tpu.memory_space<vmem>>[vector<16xi32>, vector<16xi32>], vector<16xf32>,
      %gather3A_154 = tpu.vector_load_idx %arg11[%add3A_149, %add3A_37] : memref<3200x8xf32, #tpu.memory_space<vmem>>[vector<16xi32>, vector<16xi32>], vector<16xf32>,
      %gather3A_155 = tpu.vector_load_idx %arg11[%add3A_149, %add3A_40] : memref<3200x8xf32, #tpu.memory_space<vmem>>[vector<16xi32>, vector<16xi32>], vector<16xf32>,
      %sub3A_156 = arith.subf %gather3A_150, %gather3A_153 : vector<16xf32>
      %sub3A_157 = arith.subf %gather3A_151, %gather3A_154 : vector<16xf32>
      %sub3A_158 = arith.subf %gather3A_152, %gather3A_155 : vector<16xf32>
      %mul3A_159 = arith.mulf %sub3A_156, %sub3A_156 : vector<16xf32>
      %mul3A_160 = arith.mulf %sub3A_157, %sub3A_157 : vector<16xf32>
      %add3A_161 = arith.addf %mul3A_159, %mul3A_160 : vector<16xf32>
      %mul3A_162 = arith.mulf %sub3A_158, %sub3A_158 : vector<16xf32>
      %add3A_163 = arith.addf %add3A_161, %mul3A_162 : vector<16xf32>
      %bitcast_convert_type3A_164 = tpu.bitcast %add3A_163 : vector<16xf32> -> vector<16xi32>
      %shift_right_arithmetic3A_165 = arith.constant 1 : i32
      %shift_right_arithmetic3A_166 = vector.broadcast %shift_right_arithmetic3A_165 : i32 to vector<16xi32>
      %shift_right_arithmetic3A_167 = arith.shrsi %bitcast_convert_type3A_164, %shift_right_arithmetic3A_166 : vector<16xi32>
      %sub3A_168 = arith.constant 1597463007 : i32
      %sub3A_169 = vector.broadcast %sub3A_168 : i32 to vector<16xi32>
      %sub3A_170 = arith.subi %sub3A_169, %shift_right_arithmetic3A_167 : vector<16xi32>
      %bitcast_convert_type3A_171 = tpu.bitcast %sub3A_170 : vector<16xi32> -> vector<16xf32>
      %mul3A_172 = arith.constant 5.000000e-01 : f32
      %mul3A_173 = vector.broadcast %mul3A_172 : f32 to vector<16xf32>
      %mul3A_174 = arith.mulf %mul3A_173, %add3A_163 : vector<16xf32>
      %mul3A_175 = arith.mulf %mul3A_174, %bitcast_convert_type3A_171 : vector<16xf32>
      %mul3A_176 = arith.mulf %mul3A_175, %bitcast_convert_type3A_171 : vector<16xf32>
      %sub3A_177 = arith.constant 1.500000e+00 : f32
      %sub3A_178 = vector.broadcast %sub3A_177 : f32 to vector<16xf32>
      %sub3A_179 = arith.subf %sub3A_178, %mul3A_176 : vector<16xf32>
      %mul3A_180 = arith.mulf %bitcast_convert_type3A_171, %sub3A_179 : vector<16xf32>
      %mul3A_181 = arith.mulf %mul3A_174, %mul3A_180 : vector<16xf32>
      %mul3A_182 = arith.mulf %mul3A_181, %mul3A_180 : vector<16xf32>
      %sub3A_183 = arith.constant 1.500000e+00 : f32
      %sub3A_184 = vector.broadcast %sub3A_183 : f32 to vector<16xf32>
      %sub3A_185 = arith.subf %sub3A_184, %mul3A_182 : vector<16xf32>
      %mul3A_186 = arith.mulf %mul3A_180, %sub3A_185 : vector<16xf32>
      %mul3A_187 = arith.mulf %mul3A_174, %mul3A_186 : vector<16xf32>
      %mul3A_188 = arith.mulf %mul3A_187, %mul3A_186 : vector<16xf32>
      %sub3A_189 = arith.constant 1.500000e+00 : f32
      %sub3A_190 = vector.broadcast %sub3A_189 : f32 to vector<16xf32>
      %sub3A_191 = arith.subf %sub3A_190, %mul3A_188 : vector<16xf32>
      %mul3A_192 = arith.mulf %mul3A_186, %sub3A_191 : vector<16xf32>
      %mul3A_193 = arith.mulf %add3A_163, %mul3A_192 : vector<16xf32>
      %mul3A_194 = arith.constant 16 : i32
      %mul3A_195 = arith.muli %scan3A_145, %mul3A_194 : i32
      %get3A_196 = arith.index_cast %mul3A_195 : i32 to index
      %get3A_197 = tpu.vector_load %arg13[%get3A_196] {strides = array<i32>} : memref<3200xf32, #tpu.memory_space<vmem>>, vector<16xf32>,
      %get3A_198 = arith.index_cast %mul3A_195 : i32 to index
      %get3A_199 = tpu.vector_load %arg12[%get3A_198] {strides = array<i32>} : memref<3200xf32, #tpu.memory_space<vmem>>, vector<16xf32>,
      %sub3A_200 = arith.subf %mul3A_193, %get3A_199 : vector<16xf32>
      %mul3A_201 = arith.constant 5.000000e-01 : f32
      %mul3A_202 = vector.broadcast %mul3A_201 : f32 to vector<16xf32>
      %mul3A_203 = arith.mulf %mul3A_202, %get3A_197 : vector<16xf32>
      %mul3A_204 = arith.mulf %sub3A_200, %sub3A_200 : vector<16xf32>
      %mul3A_205 = arith.mulf %mul3A_203, %mul3A_204 : vector<16xf32>
      %add3A_206 = arith.addf %add3A_143, %mul3A_205 : vector<16xf32>
      scf.yield %add3A_206 : vector<16xf32>
    }
    %scan3A_62 = arith.constant 100 : i32
    %dma_wait3A_63 = arith.constant 1600 : i32
    %dma_wait3A_64 = arith.constant 0 : i32
    %dma_wait3A_65 = tpu.memref_slice %arg10[%dma_wait3A_63, %dma_wait3A_64] : memref<3200x8xf32, #tpu.memory_space<vmem>> -> memref<1600x8xf32, #tpu.memory_space<vmem>>
    %dma_wait3A_66 = arith.constant 1600 : i32
    %dma_wait3A_67 = tpu.memref_slice %arg8[%dma_wait3A_66] : memref<3200xi32, #tpu.memory_space<vmem>> -> memref<1600xi32, #tpu.memory_space<vmem>>
    %dma_wait3A_68 = arith.constant 0 : i32
    %dma_wait3A_69 = arith.constant 0 : i32
    %dma_wait3A_70 = tpu.memref_slice %arg2[%dma_wait3A_68, %dma_wait3A_69] : memref<100352x8xf32, #tpu.memory_space<hbm>> -> memref<100352x8xf32, #tpu.memory_space<hbm>>
    tpu.wait_indirect_dma semaphore(%arg16 : memref<!tpu.dma_semaphore, #tpu.memory_space<semaphore_mem>>) src(%dma_wait3A_70 : memref<100352x8xf32, #tpu.memory_space<hbm>>) dst(%dma_wait3A_65 : memref<1600x8xf32, #tpu.memory_space<vmem>>)
    %dma_wait3A_71 = arith.constant 1600 : i32
    %dma_wait3A_72 = arith.constant 0 : i32
    %dma_wait3A_73 = tpu.memref_slice %arg11[%dma_wait3A_71, %dma_wait3A_72] : memref<3200x8xf32, #tpu.memory_space<vmem>> -> memref<1600x8xf32, #tpu.memory_space<vmem>>
    %dma_wait3A_74 = arith.constant 1600 : i32
    %dma_wait3A_75 = tpu.memref_slice %arg9[%dma_wait3A_74] : memref<3200xi32, #tpu.memory_space<vmem>> -> memref<1600xi32, #tpu.memory_space<vmem>>
    %dma_wait3A_76 = arith.constant 0 : i32
    %dma_wait3A_77 = arith.constant 0 : i32
    %dma_wait3A_78 = tpu.memref_slice %arg2[%dma_wait3A_76, %dma_wait3A_77] : memref<100352x8xf32, #tpu.memory_space<hbm>> -> memref<100352x8xf32, #tpu.memory_space<hbm>>
    tpu.wait_indirect_dma semaphore(%arg16 : memref<!tpu.dma_semaphore, #tpu.memory_space<semaphore_mem>>) src(%dma_wait3A_78 : memref<100352x8xf32, #tpu.memory_space<hbm>>) dst(%dma_wait3A_73 : memref<1600x8xf32, #tpu.memory_space<vmem>>)
    %scan3A_79 = arith.constant 100 : i32
    %scan3A_80 = arith.constant 100 : i32
    %scan3A_81 = arith.addi %scan3A_79, %scan3A_80 : i32
    %scan3A_82 = arith.constant 2 : i32
    %scan3A_83 = scf.for %scan3A_86 = %scan3A_79 to %scan3A_81 step %scan3A_82 iter_args(%scan3A_87 = %scan3A_61) -> (vector<16xf32>)  : i32 {
      %mul3A_88 = arith.constant 16 : i32
      %mul3A_89 = arith.muli %scan3A_86, %mul3A_88 : i32
      %add3A_90 = vector.broadcast %mul3A_89 : i32 to vector<16xi32>
      %add3A_91 = arith.addi %add3A_90, %iota3A : vector<16xi32>
      %gather3A = tpu.vector_load_idx %arg10[%add3A_91, %broadcast_in_dim3A_34] : memref<3200x8xf32, #tpu.memory_space<vmem>>[vector<16xi32>, vector<16xi32>], vector<16xf32>,
      %gather3A_92 = tpu.vector_load_idx %arg10[%add3A_91, %add3A_37] : memref<3200x8xf32, #tpu.memory_space<vmem>>[vector<16xi32>, vector<16xi32>], vector<16xf32>,
      %gather3A_93 = tpu.vector_load_idx %arg10[%add3A_91, %add3A_40] : memref<3200x8xf32, #tpu.memory_space<vmem>>[vector<16xi32>, vector<16xi32>], vector<16xf32>,
      %gather3A_94 = tpu.vector_load_idx %arg11[%add3A_91, %broadcast_in_dim3A_34] : memref<3200x8xf32, #tpu.memory_space<vmem>>[vector<16xi32>, vector<16xi32>], vector<16xf32>,
      %gather3A_95 = tpu.vector_load_idx %arg11[%add3A_91, %add3A_37] : memref<3200x8xf32, #tpu.memory_space<vmem>>[vector<16xi32>, vector<16xi32>], vector<16xf32>,
      %gather3A_96 = tpu.vector_load_idx %arg11[%add3A_91, %add3A_40] : memref<3200x8xf32, #tpu.memory_space<vmem>>[vector<16xi32>, vector<16xi32>], vector<16xf32>,
      %sub3A = arith.subf %gather3A, %gather3A_94 : vector<16xf32>
      %sub3A_97 = arith.subf %gather3A_92, %gather3A_95 : vector<16xf32>
      %sub3A_98 = arith.subf %gather3A_93, %gather3A_96 : vector<16xf32>
      %mul3A_99 = arith.mulf %sub3A, %sub3A : vector<16xf32>
      %mul3A_100 = arith.mulf %sub3A_97, %sub3A_97 : vector<16xf32>
      %add3A_101 = arith.addf %mul3A_99, %mul3A_100 : vector<16xf32>
      %mul3A_102 = arith.mulf %sub3A_98, %sub3A_98 : vector<16xf32>
      %add3A_103 = arith.addf %add3A_101, %mul3A_102 : vector<16xf32>
      %bitcast_convert_type3A = tpu.bitcast %add3A_103 : vector<16xf32> -> vector<16xi32>
      %shift_right_arithmetic3A = arith.constant 1 : i32
      %shift_right_arithmetic3A_104 = vector.broadcast %shift_right_arithmetic3A : i32 to vector<16xi32>
      %shift_right_arithmetic3A_105 = arith.shrsi %bitcast_convert_type3A, %shift_right_arithmetic3A_104 : vector<16xi32>
      %sub3A_106 = arith.constant 1597463007 : i32
      %sub3A_107 = vector.broadcast %sub3A_106 : i32 to vector<16xi32>
      %sub3A_108 = arith.subi %sub3A_107, %shift_right_arithmetic3A_105 : vector<16xi32>
      %bitcast_convert_type3A_109 = tpu.bitcast %sub3A_108 : vector<16xi32> -> vector<16xf32>
      %mul3A_110 = arith.constant 5.000000e-01 : f32
      %mul3A_111 = vector.broadcast %mul3A_110 : f32 to vector<16xf32>
      %mul3A_112 = arith.mulf %mul3A_111, %add3A_103 : vector<16xf32>
      %mul3A_113 = arith.mulf %mul3A_112, %bitcast_convert_type3A_109 : vector<16xf32>
      %mul3A_114 = arith.mulf %mul3A_113, %bitcast_convert_type3A_109 : vector<16xf32>
      %sub3A_115 = arith.constant 1.500000e+00 : f32
      %sub3A_116 = vector.broadcast %sub3A_115 : f32 to vector<16xf32>
      %sub3A_117 = arith.subf %sub3A_116, %mul3A_114 : vector<16xf32>
      %mul3A_118 = arith.mulf %bitcast_convert_type3A_109, %sub3A_117 : vector<16xf32>
      %mul3A_119 = arith.mulf %mul3A_112, %mul3A_118 : vector<16xf32>
      %mul3A_120 = arith.mulf %mul3A_119, %mul3A_118 : vector<16xf32>
      %sub3A_121 = arith.constant 1.500000e+00 : f32
      %sub3A_122 = vector.broadcast %sub3A_121 : f32 to vector<16xf32>
      %sub3A_123 = arith.subf %sub3A_122, %mul3A_120 : vector<16xf32>
      %mul3A_124 = arith.mulf %mul3A_118, %sub3A_123 : vector<16xf32>
      %mul3A_125 = arith.mulf %mul3A_112, %mul3A_124 : vector<16xf32>
      %mul3A_126 = arith.mulf %mul3A_125, %mul3A_124 : vector<16xf32>
      %sub3A_127 = arith.constant 1.500000e+00 : f32
      %sub3A_128 = vector.broadcast %sub3A_127 : f32 to vector<16xf32>
      %sub3A_129 = arith.subf %sub3A_128, %mul3A_126 : vector<16xf32>
      %mul3A_130 = arith.mulf %mul3A_124, %sub3A_129 : vector<16xf32>
      %mul3A_131 = arith.mulf %add3A_103, %mul3A_130 : vector<16xf32>
      %mul3A_132 = arith.constant 16 : i32
      %mul3A_133 = arith.muli %scan3A_86, %mul3A_132 : i32
      %get3A = arith.index_cast %mul3A_133 : i32 to index
      %get3A_134 = tpu.vector_load %arg13[%get3A] {strides = array<i32>} : memref<3200xf32, #tpu.memory_space<vmem>>, vector<16xf32>,
      %get3A_135 = arith.index_cast %mul3A_133 : i32 to index
      %get3A_136 = tpu.vector_load %arg12[%get3A_135] {strides = array<i32>} : memref<3200xf32, #tpu.memory_space<vmem>>, vector<16xf32>,
      %sub3A_137 = arith.subf %mul3A_131, %get3A_136 : vector<16xf32>
      %mul3A_138 = arith.constant 5.000000e-01 : f32
      %mul3A_139 = vector.broadcast %mul3A_138 : f32 to vector<16xf32>
      %mul3A_140 = arith.mulf %mul3A_139, %get3A_134 : vector<16xf32>
      %mul3A_141 = arith.mulf %sub3A_137, %sub3A_137 : vector<16xf32>
      %mul3A_142 = arith.mulf %mul3A_140, %mul3A_141 : vector<16xf32>
      %add3A_143 = arith.addf %scan3A_87, %mul3A_142 : vector<16xf32>
      %scan3A_144 = arith.constant 1 : i32
      %scan3A_145 = arith.addi %scan3A_86, %scan3A_144 : i32
      %mul3A_146 = arith.constant 16 : i32
      %mul3A_147 = arith.muli %scan3A_145, %mul3A_146 : i32
      %add3A_148 = vector.broadcast %mul3A_147 : i32 to vector<16xi32>
      %add3A_149 = arith.addi %add3A_148, %iota3A : vector<16xi32>
      %gather3A_150 = tpu.vector_load_idx %arg10[%add3A_149, %broadcast_in_dim3A_34] : memref<3200x8xf32, #tpu.memory_space<vmem>>[vector<16xi32>, vector<16xi32>], vector<16xf32>,
      %gather3A_151 = tpu.vector_load_idx %arg10[%add3A_149, %add3A_37] : memref<3200x8xf32, #tpu.memory_space<vmem>>[vector<16xi32>, vector<16xi32>], vector<16xf32>,
      %gather3A_152 = tpu.vector_load_idx %arg10[%add3A_149, %add3A_40] : memref<3200x8xf32, #tpu.memory_space<vmem>>[vector<16xi32>, vector<16xi32>], vector<16xf32>,
      %gather3A_153 = tpu.vector_load_idx %arg11[%add3A_149, %broadcast_in_dim3A_34] : memref<3200x8xf32, #tpu.memory_space<vmem>>[vector<16xi32>, vector<16xi32>], vector<16xf32>,
      %gather3A_154 = tpu.vector_load_idx %arg11[%add3A_149, %add3A_37] : memref<3200x8xf32, #tpu.memory_space<vmem>>[vector<16xi32>, vector<16xi32>], vector<16xf32>,
      %gather3A_155 = tpu.vector_load_idx %arg11[%add3A_149, %add3A_40] : memref<3200x8xf32, #tpu.memory_space<vmem>>[vector<16xi32>, vector<16xi32>], vector<16xf32>,
      %sub3A_156 = arith.subf %gather3A_150, %gather3A_153 : vector<16xf32>
      %sub3A_157 = arith.subf %gather3A_151, %gather3A_154 : vector<16xf32>
      %sub3A_158 = arith.subf %gather3A_152, %gather3A_155 : vector<16xf32>
      %mul3A_159 = arith.mulf %sub3A_156, %sub3A_156 : vector<16xf32>
      %mul3A_160 = arith.mulf %sub3A_157, %sub3A_157 : vector<16xf32>
      %add3A_161 = arith.addf %mul3A_159, %mul3A_160 : vector<16xf32>
      %mul3A_162 = arith.mulf %sub3A_158, %sub3A_158 : vector<16xf32>
      %add3A_163 = arith.addf %add3A_161, %mul3A_162 : vector<16xf32>
      %bitcast_convert_type3A_164 = tpu.bitcast %add3A_163 : vector<16xf32> -> vector<16xi32>
      %shift_right_arithmetic3A_165 = arith.constant 1 : i32
      %shift_right_arithmetic3A_166 = vector.broadcast %shift_right_arithmetic3A_165 : i32 to vector<16xi32>
      %shift_right_arithmetic3A_167 = arith.shrsi %bitcast_convert_type3A_164, %shift_right_arithmetic3A_166 : vector<16xi32>
      %sub3A_168 = arith.constant 1597463007 : i32
      %sub3A_169 = vector.broadcast %sub3A_168 : i32 to vector<16xi32>
      %sub3A_170 = arith.subi %sub3A_169, %shift_right_arithmetic3A_167 : vector<16xi32>
      %bitcast_convert_type3A_171 = tpu.bitcast %sub3A_170 : vector<16xi32> -> vector<16xf32>
      %mul3A_172 = arith.constant 5.000000e-01 : f32
      %mul3A_173 = vector.broadcast %mul3A_172 : f32 to vector<16xf32>
      %mul3A_174 = arith.mulf %mul3A_173, %add3A_163 : vector<16xf32>
      %mul3A_175 = arith.mulf %mul3A_174, %bitcast_convert_type3A_171 : vector<16xf32>
      %mul3A_176 = arith.mulf %mul3A_175, %bitcast_convert_type3A_171 : vector<16xf32>
      %sub3A_177 = arith.constant 1.500000e+00 : f32
      %sub3A_178 = vector.broadcast %sub3A_177 : f32 to vector<16xf32>
      %sub3A_179 = arith.subf %sub3A_178, %mul3A_176 : vector<16xf32>
      %mul3A_180 = arith.mulf %bitcast_convert_type3A_171, %sub3A_179 : vector<16xf32>
      %mul3A_181 = arith.mulf %mul3A_174, %mul3A_180 : vector<16xf32>
      %mul3A_182 = arith.mulf %mul3A_181, %mul3A_180 : vector<16xf32>
      %sub3A_183 = arith.constant 1.500000e+00 : f32
      %sub3A_184 = vector.broadcast %sub3A_183 : f32 to vector<16xf32>
      %sub3A_185 = arith.subf %sub3A_184, %mul3A_182 : vector<16xf32>
      %mul3A_186 = arith.mulf %mul3A_180, %sub3A_185 : vector<16xf32>
      %mul3A_187 = arith.mulf %mul3A_174, %mul3A_186 : vector<16xf32>
      %mul3A_188 = arith.mulf %mul3A_187, %mul3A_186 : vector<16xf32>
      %sub3A_189 = arith.constant 1.500000e+00 : f32
      %sub3A_190 = vector.broadcast %sub3A_189 : f32 to vector<16xf32>
      %sub3A_191 = arith.subf %sub3A_190, %mul3A_188 : vector<16xf32>
      %mul3A_192 = arith.mulf %mul3A_186, %sub3A_191 : vector<16xf32>
      %mul3A_193 = arith.mulf %add3A_163, %mul3A_192 : vector<16xf32>
      %mul3A_194 = arith.constant 16 : i32
      %mul3A_195 = arith.muli %scan3A_145, %mul3A_194 : i32
      %get3A_196 = arith.index_cast %mul3A_195 : i32 to index
      %get3A_197 = tpu.vector_load %arg13[%get3A_196] {strides = array<i32>} : memref<3200xf32, #tpu.memory_space<vmem>>, vector<16xf32>,
      %get3A_198 = arith.index_cast %mul3A_195 : i32 to index
      %get3A_199 = tpu.vector_load %arg12[%get3A_198] {strides = array<i32>} : memref<3200xf32, #tpu.memory_space<vmem>>, vector<16xf32>,
      %sub3A_200 = arith.subf %mul3A_193, %get3A_199 : vector<16xf32>
      %mul3A_201 = arith.constant 5.000000e-01 : f32
      %mul3A_202 = vector.broadcast %mul3A_201 : f32 to vector<16xf32>
      %mul3A_203 = arith.mulf %mul3A_202, %get3A_197 : vector<16xf32>
      %mul3A_204 = arith.mulf %sub3A_200, %sub3A_200 : vector<16xf32>
      %mul3A_205 = arith.mulf %mul3A_203, %mul3A_204 : vector<16xf32>
      %add3A_206 = arith.addf %add3A_143, %mul3A_205 : vector<16xf32>
      scf.yield %add3A_206 : vector<16xf32>
    }
    %scan3A_84 = arith.constant 100 : i32
    %swap3A = arith.constant 0 : index
    %swap3A_85 = tpu.vector_load %arg14[%swap3A] {strides = array<i32>} : memref<16xf32, #tpu.memory_space<vmem>>, vector<16xf32>,
    tpu.vector_store %arg14[%swap3A], %scan3A_83 {strides = array<i32>} : memref<16xf32, #tpu.memory_space<vmem>>, vector<16xf32>,
    "tpu.region"() ({
      %run_scoped3A = tpu.sem_alloc : memref<!tpu.dma_semaphore, #tpu.memory_space<semaphore_mem>>
      %dma_start3A_86 = arith.constant 0 : i32
      %dma_start3A_87 = tpu.memref_slice %arg7[%add3A, %dma_start3A_86] : memref<32x16xf32, #tpu.memory_space<hbm>> -> memref<1x16xf32, #tpu.memory_space<hbm>>
      %dma_start3A_88 = tpu.memref_squeeze %dma_start3A_87 : memref<1x16xf32, #tpu.memory_space<hbm>> -> memref<16xf32, #tpu.memory_space<hbm>>
      %dma_start3A_89 = arith.constant 0 : i32
      %dma_start3A_90 = tpu.memref_slice %arg7[%add3A, %dma_start3A_89] : memref<32x16xf32, #tpu.memory_space<hbm>> -> memref<1x16xf32, #tpu.memory_space<hbm>>
      %dma_start3A_91 = tpu.memref_squeeze %dma_start3A_90 : memref<1x16xf32, #tpu.memory_space<hbm>> -> memref<16xf32, #tpu.memory_space<hbm>>
      tpu.enqueue_dma source(%arg14 : memref<16xf32, #tpu.memory_space<vmem>>) target(%dma_start3A_91 : memref<16xf32, #tpu.memory_space<hbm>>) target_semaphore(%run_scoped3A : memref<!tpu.dma_semaphore, #tpu.memory_space<semaphore_mem>>)
      %dma_wait3A_92 = arith.constant 0 : i32
      %dma_wait3A_93 = tpu.memref_slice %arg7[%add3A, %dma_wait3A_92] : memref<32x16xf32, #tpu.memory_space<hbm>> -> memref<1x16xf32, #tpu.memory_space<hbm>>
      %dma_wait3A_94 = tpu.memref_squeeze %dma_wait3A_93 : memref<1x16xf32, #tpu.memory_space<hbm>> -> memref<16xf32, #tpu.memory_space<hbm>>
      %dma_wait3A_95 = arith.constant 0 : i32
      %dma_wait3A_96 = tpu.memref_slice %arg7[%add3A, %dma_wait3A_95] : memref<32x16xf32, #tpu.memory_space<hbm>> -> memref<1x16xf32, #tpu.memory_space<hbm>>
      %dma_wait3A_97 = tpu.memref_squeeze %dma_wait3A_96 : memref<1x16xf32, #tpu.memory_space<hbm>> -> memref<16xf32, #tpu.memory_space<hbm>>
      tpu.wait_dma2 semaphore(%run_scoped3A : memref<!tpu.dma_semaphore, #tpu.memory_space<semaphore_mem>>) src(%arg14 : memref<16xf32, #tpu.memory_space<vmem>>) dst(%dma_wait3A_97 : memref<16xf32, #tpu.memory_space<hbm>>)
      tpu.yield
    }) : () -> ()
    return
  }
}

</mosaic_0001>

<sc_bundles>
// kernel: kernel.4.cloned.1.call-start
scs
__scs_entry_jumppad:
0x0: {  	(pc) =	sbr.rel $0x88, $3  }
0x1: {  	(tag) =	ssettag $0x0;
	lr =	simm.s32 $0x1  }
0x2: {  	[smem:$0x3F9D] =	sst lr;
	_ =	strace $0xD0000000  }
0x3: {  	_ = 	snop  }
0x4: {  	_ = 	snop  }
0x5: {  	_ = 	snop  }
0x6: {  	_ = 	snop  }
0x7: {  	_ = 	snop  }
__scs_overlays_trampoline_lowered:
0x8: {  	[smem:$0x3FAC] =	sst s0  }
0x9: {  	[smem:$0x3FAD] =	sst s1  }
0xa: {  	[smem:$0x3FAE] =	sst s2  }
0xb: {  	[smem:$0x3FAF] =	sst s3  }
0xc: {  	[smem:$0x3FB0] =	sst s4  }
0xd: {  	[smem:$0x3FB1] =	sst s5  }
0xe: {  	[smem:$0x3FB2] =	sst s6  }
0xf: {  	[smem:$0x3FB3] =	sst s7  }
0x10: {  	[smem:$0x3FB4] =	sst s8  }
0x11: {  	[smem:$0x3FB5] =	sst s9;
	s0 =	simm.s32 @!p0 $0x0  }
0x12: {  	s1 =	sld [smem:$0x3F9B];
	s0 =	simm.s32 @p0 $0x1  }
0x13: {  	[smem:$0x3FB6] =	sst s0;
	s0 =	simm.s32 @!p1 $0x0  }
0x14: {  	s2 =	sld [smem:$0x3F9A];
	s0 =	simm.s32 @p1 $0x1  }
0x15: {  	[smem:$0x3FB7] =	sst s0;
	s0 =	simm.s32 @!p2 $0x0  }
0x16: {  	s3 =	sld [smem:$0x3FDB];
	s0 =	simm.s32 @p2 $0x1  }
0x17: {  	s4 =	simm.s32 $0x1BF5;
	[smem:$0x3FB9] =	sst s0  }
0x18: {  	s0 =	sld [smem:$0x3F9C];
	_ =	swait.ge [sflag:s4], $0x0  }
0x19: {  	s7 =	sld [smem:$0x3F9D]  }
0x1a: {  	s8 =	sadd.s32 $0xFFFFE003, lr  }
0x1b: {  	s9 =	sadd.s32 $0xFFFFFEF7, lr;
	s5 =	simm.s32 $0xFFFFFFFF;
	p2 =	slt.u32 s8, $0xFFFFF086  }
0x1c: {  	p1 =	slt.u32 s9, $0xF7A;
	s5 =	simm.s32 @!p2 $0x0  }
0x1d: {  	s5 =	simm.s32 @p1 $0x1;
	p0 =	seq.s32 s7, s2  }
0x1e: {  	s7 =	smul.u32 @!p0 $0xF7A, s2;
	p2 =	seq.s32 @!p0 s5, $0x0  }
0x1f: {  	s9 =	smul.u32 $0xF7A, s1;
	s8 =	simm.s32 @!p0 $0x1BF5;
	p2 =	por !p2, p0  }
0x20: {  	[sflag:s8] =	ssyncset.s32 @!p0 $0xFFFFF086;
	s6 =	sadd.s32 @!p0 s3, s7;
	s7 =	simm.s32 @!p0 $0x108  }
0x21: {  	s3 =	sadd.s32 s3, s9;
	s6 =	sadd.s32 @!p0 $0x88, s6;
	s7 =	simm.s32 @p2 $0x1082  }
0x22: {  	[simem:s7], [sflag:s8] =	dma.local @!p0 [hbm:s6], $0xF7A  }
0x23: {  	s9 =	sor.u32 $0xD0000000, s2;
	s6 =	simm.s32 $0x108;
	_ =	swait.ge @!p0 [sflag:s8], $0x0  }
0x24: {  	s3 =	sadd.s32 $0x88, s3;
	s6 =	simm.s32 @!p1 $0x1082;
	[sflag:s4] =	ssyncset.s32 $0xFFFFF086  }
0x25: {  	[simem:s6], [sflag:s4] =	dma.local [hbm:s3], $0xF7A  }
0x26: {  	[smem:$0x3F9D] =	sst s1;
	(tag) =	ssettag s2;
	_ =	strace s9  }
0x27: {  	s1 =	sld [smem:$0x3FAD]  }
0x28: {  	s2 =	sld [smem:$0x3FAE]  }
0x29: {  	s4 =	sld [smem:$0x3FB0]  }
0x2a: {  	p0 =	seq.s32 s5, $0x0;
	s5 =	sld [smem:$0x3FB1]  }
0x2b: {  	s6 =	sld [smem:$0x3FB2]  }
0x2c: {  	s7 =	sld [smem:$0x3FB3]  }
0x2d: {  	s3 =	simm.s32 $0x108;
	s8 =	sld [smem:$0x3FB4]  }
0x2e: {  	s3 =	simm.s32 @!p0 $0x1082;
	s9 =	sld [smem:$0x3FB5]  }
0x2f: {  	lr =	sadd.s32 s0, s3;
	s0 =	sld [smem:$0x3FAC]  }
0x30: {  	s3 =	sld [smem:$0x3FAF]  }
0x31: {  	[smem:$0x3FB8] =	sst s10  }
0x32: {  	s10 =	sld [smem:$0x3FB6];
	_ =	sdelay $0x3  }
0x33: {  	p0 =	seq.s32 s10, $0x1;
	s10 =	sld [smem:$0x3FB8];
	_ =	sdelay $0x3  }
0x34: {  	[smem:$0x3FB8] =	sst s10  }
0x35: {  	s10 =	sld [smem:$0x3FB7];
	_ =	sdelay $0x3  }
0x36: {  	p1 =	seq.s32 s10, $0x1;
	s10 =	sld [smem:$0x3FB8];
	_ =	sdelay $0x3  }
0x37: {  	[smem:$0x3FB8] =	sst s10  }
0x38: {  	s10 =	sld [smem:$0x3FB9]  }
0x39: {  	_ = 	snop;
	(pc) =	sbr.ind lr, $3  }
0x3a: {  	_ = 	snop  }
0x3b: {  	_ = 	snop  }
0x3c: {  	p2 =	seq.s32 s10, $0x1;
	s10 =	sld [smem:$0x3FB8]  }
0x3d: {  	_ =	shalt  }
0x3e: {  	_ =	shalt  }
0x3f: {  	_ =	shalt  }
0x40: {  	_ =	shalt  }
0x41: {  	_ =	shalt  }
0x42: {  	_ =	shalt  }
0x43: {  	_ =	shalt  }
0x44: {  	_ =	shalt  }
0x45: {  	_ =	shalt  }
0x46: {  	_ =	shalt  }
0x47: {  	_ =	shalt  }
0x48: {  	_ =	shalt  }
0x49: {  	_ =	shalt  }
0x4a: {  	_ =	shalt  }
0x4b: {  	_ =	shalt  }
0x4c: {  	_ =	shalt  }
0x4d: {  	_ =	shalt  }
0x4e: {  	_ =	shalt  }
0x4f: {  	_ =	shalt  }
0x50: {  	_ =	shalt  }
0x51: {  	_ =	shalt  }
0x52: {  	_ =	shalt  }
0x53: {  	_ =	shalt  }
0x54: {  	_ =	shalt  }
0x55: {  	_ =	shalt  }
0x56: {  	_ =	shalt  }
0x57: {  	_ =	shalt  }
0x58: {  	_ =	shalt  }
0x59: {  	_ =	shalt  }
0x5a: {  	_ =	shalt  }
0x5b: {  	_ =	shalt  }
0x5c: {  	_ =	shalt  }
0x5d: {  	_ =	shalt  }
0x5e: {  	_ =	shalt  }
0x5f: {  	_ =	shalt  }
0x60: {  	_ =	shalt  }
0x61: {  	_ =	shalt  }
0x62: {  	_ =	shalt  }
0x63: {  	_ =	shalt  }
0x64: {  	_ =	shalt  }
0x65: {  	_ =	shalt  }
0x66: {  	_ =	shalt  }
0x67: {  	_ =	shalt  }
0x68: {  	_ =	shalt  }
0x69: {  	_ =	shalt  }
0x6a: {  	_ =	shalt  }
0x6b: {  	_ =	shalt  }
0x6c: {  	_ =	shalt  }
0x6d: {  	_ =	shalt  }
0x6e: {  	_ =	shalt  }
0x6f: {  	_ =	shalt  }
0x70: {  	_ =	shalt  }
0x71: {  	_ =	shalt  }
0x72: {  	_ =	shalt  }
0x73: {  	_ =	shalt  }
0x74: {  	_ =	shalt  }
0x75: {  	_ =	shalt  }
0x76: {  	_ =	shalt  }
0x77: {  	_ =	shalt  }
0x78: {  	_ =	shalt  }
0x79: {  	_ =	shalt  }
0x7a: {  	_ =	shalt  }
0x7b: {  	_ =	shalt  }
0x7c: {  	_ =	shalt  }
0x7d: {  	_ =	shalt  }
0x7e: {  	_ =	shalt  }
0x7f: {  	_ =	shalt  }
0x80: {  	_ =	shalt  }
0x81: {  	_ =	shalt  }
0x82: {  	_ =	shalt  }
0x83: {  	_ =	shalt  }
0x84: {  	_ =	shalt  }
0x85: {  	_ =	shalt  }
0x86: {  	_ =	shalt  }
0x87: {  	_ =	shalt  }
.Lfunc_end0:
.L_simem_size_0:
called_computation_lowered:
.L_overlay_start_0:
0x88: {  	s2 =	sld [smem:$0x3FD9]  }
0x89: {  	s3 =	sld [smem:$0x3FFE];
	_ =	sdelay $0x1  }
0x8a: {  	s1 =	srdreg.scid  }
0x8b: {  	s0 =	sand.u32 $0x1, s1  }
0x8c: {  	s16 =	sshll.u32 s0, $0xA;
	s2 =	sadd.s32 s3, s2  }
0x8d: {  	s2 =	sadd.s32 s2, s16  }
0x8e: {  	[smem:$0x3FC4] =	sst s2  }
0x8f: {  	_ = 	snop  }
0x90: {  	(tm) =	ssettm $0x1  }
0x91: {  	s17 =	sld [smem:$0x3FFB];
	_ =	sdelay $0x3  }
0x92: {  	_ =	strace s17  }
0x93: {  	s2 =	sld [smem:$0x3FFC];
	_ =	sdelay $0x3  }
0x94: {  	_ =	strace s2  }
0x95: {  	s2 =	sld [smem:$0x3FFD];
	_ =	sdelay $0x3  }
0x96: {  	_ =	strace s2  }
0x97: {  	_ =	strace $0x8FFFFFFF  }
0x98: {  	s18 =	sld [smem:$0x3FDB];
	_ =	sdelay $0x1  }
0x99: {  	s19 =	simm.s32 $_scs_section_size  }
0x9a: {  	s4 =	simm.s32 $_size__tile_overlayer_lowered;
	s5 =	simm.s32 $_tile_overlayer_lowered  }
0x9b: {  	s22 =	simm.s32 $0x1BFF;
	s21 =	sshll.u32 s5, $0x1;
	s2 =	sadd.s32 s19, s18  }
0x9c: {  	s6 =	simm.s32 $0x0;
	s20 =	sshll.u32 s4, $0x1;
	s4 =	sadd.s32 s21, s2  }
0x9d: {  	[timem:s6], [sflag:s22] =	dma.local [hbm:s4], s20  }
0x9e: {  	_ =	swait.ge [sflag:s22], s20  }
0x9f: {  	s3 =	ssub.s32 $0x0, s20;
	[sflag:s22] =	ssyncset.done $0x0  }
0xa0: {  	[sflag:s22] =	ssyncadd.s32 s3;
	_ =	sdelay $0x1  }
0xa1: {  	s23 =	simm.s32 $0x1B8B  }
0xa2: {  	_ =	swait.ge [sflag:s23], $0x1  }
0xa3: {  	[sflag:s23] =	ssyncset.done $0x0  }
0xa4: {  	s25 =	simm.s32 $0x1B8E;
	s24 =	sld [smem:$0x3FFE];
	[sflag:s23] =	ssyncadd.s32 $0xFFFFFFFF  }
0xa5: {  	s26 =	simm.s32 $execute0_lowered;
	[smem:$0x3FD2] =	sst s25  }
0xa6: {  	s4 =	sshll.u32 s26, $0x1;
	_ =	strace $0x80000046;
	[dreg:$0x1] =	wrdreg $0xFFFFFFFF  }
0xa7: {  	s28 =	simm.s32 $_size_execute0_lowered;
	s2 =	sadd.s32 s2, s4;
	[dreg:$0x0] =	wrdreg $0x0  }
0xa8: {  	s4 =	sshll.u32 s28, $0x1;
	[dreg:$0x2] =	wrdreg s2  }
0xa9: {  	[dreg:$0x3] =	wrdreg s4  }
0xaa: {  	[dreg:$0x4] =	wrdreg $0xC0  }
0xab: {  	_ =	task [dreg:s6], $0x5FFFF  }
0xac: {  	[dreg:$0x1] =	wrdreg $0xFFFFFFFF  }
0xad: {  	[dreg:$0x0] =	wrdreg $0x60  }
0xae: {  	[dreg:$0x2] =	wrdreg s24  }
0xaf: {  	[dreg:$0x3] =	wrdreg $0x9  }
0xb0: {  	_ =	task.clear_ibuf [dreg:s6], $0x4FFFF;
	_ =	strace $0x90000046  }
0xb1: {  	s29 =	simm.s32 $0x9;
	_ =	strace $0x80000048  }
0xb2: {  	_ =	swait.ge [sflag:s29], $0x1  }
0xb3: {  	[sflag:s29] =	ssyncadd.s32 $0xFFFFFFFF  }
0xb4: {  	_ =	strace $0x90000048  }
0xb5: {  	_ =	sfence  }
0xb6: {  	s30 =	sld [smem:$0x0];
	_ =	sdelay $0x2  }
0xb7: {  	s31 =	sshll.u32 s1, $0xD;
	s1 =	sshrl.u32 s1, $0x2  }
0xb8: {  	s3 =	sand.u32 $0x4000, s31;
	s1 =	sadd.s32 s1, s30  }
0xb9: {  	s0 =	sor.u32 s3, s0;
	s1 =	sshll.u32 s1, $0x11  }
0xba: {  	s0 =	sor.u32 s1, s0  }
0xbb: {  	s0 =	sadd.s32 $0x8F2B, s0  }
0xbc: {  	[sflag:s0] =	ssyncadd.remote.s32 $0x1  }
0xbd: {  	_ =	sfence.sel $0xFFFF  }
0xbe: {  	[dreg:$0x0] =	wrdreg $0xFFFFFFFF;
	(pc) =	sbr.abs _section_cstart, $3  }
0xbf: {  	[dreg:$0x1] =	wrdreg $0xFFFFFFFF  }
0xc0: {  	_ =	task.clear_ibuf [dreg:s6], $0x2FFFF;
	_ =	strace $0x9FFFFFFF  }
0xc1: {  	(tm) =	ssettm $0x7FFFFFFF  }
tec
execute0_lowered:
.L_overlay_start_1:
0x0: {  	(tag) =	ssettag $0x1  }
0x1: {  	s1 =	srdreg.scid;
	s0 =	stileid.u32  }
0x2: {  	s4 =	sand.u32 $0x1, s1;
	s2 =	sshll.u32 s0, $0x1  }
0x3: {  	s3 =	rddreg [dreg:$0x0];
	s8 =	simm.s32 $0x0;
	s5 =	sor.u32 s4, s2  }
0x4: {  	s2 =	simm.s32 $0x0;
	s4 =	ssub.s32 $0x2, s4;
	s6 =	smul.u32 $0xC40, s5  }
0x5: {  	[smem:$0x7FF] =	sst s2;
	s7 =	sshrl.u32 s4, $0x1;
	s5 =	smul.u32 $0x498, s5  }
0x6: {  	s1 =	rddreg [dreg:$0x1];
	_ =	strace $0x80000047;
	s7 =	ssub.s32 s4, s7  }
0x7: {  	s6 =	sadd.s32 s6, s3;
	s3 =	sadd.s32 s3, s5;
	s5 =	smax.u32 s7, $0x1  }
0x8: {  	v0 =	vlaneseq.u32;
	s7 =	simm.s32 $0x24C0;
	s4 =	sadd.s32 $0x9400, s6;
	s6 =	simm.s32 $0x1  }
.LBB2_1:
0x9: {  	v2 =	vor.u32 s2, v0  }
0xa: {  	v1 =	vmul.u32 $0x5556, v2;
	_ =	sdelay $0x1  }
0xb: {  	v3 =	vshrl.u32 v1, $0x10  }
0xc: {  	s9 =	simm.s32 $0x10;
	v4 =	vmul.u32 $0xFFFFFFFD, v3  }
0xd: {  	[tilespmem:s2], [sflag:$0x1] =	stream.linear.gather [hbm4b:s3+s2], $0x24C0, $0x38;
	[tilespmem:$0x86C0] =	vst v63  }
0xe: {  	_ =	swait.ge [sflag:s6], $0x24C0;
	v1 =	vor.u32 s9, v0;
	v2 =	vadd.s32 v2, v4  }
0xf: {  	[sflag:s6] =	ssyncset.done $0x0;
	v3 =	vshll.u32 v3, $0x3;
	v4 =	vmul.u32 $0x5556, v1;
	v5 =	vand.u32 $0xFFFFFFF8, v2  }
0x10: {  	[sflag:s6] =	ssyncadd.s32 $0xFFFFDB40;
	v6 =	vand.u32 $0x7, v2;
	v3 =	vadd.s32 v3, v5  }
0x11: {  	v2 =	vld [tilespmem:s2+$0x0];
	v4 =	vshrl.u32 v4, $0x10;
	v3 =	vor.u32 v6, v3  }
0x12: {  	s10 =	simm.s32 $0x20;
	s9 =	simm.s32 $0x0;
	v5 =	vmul.u32 $0xFFFFFFFD, v4  }
.LBB2_2:
0x13: {  	p0 =	sne.s32 s10, $0x24B0  }
.Ltmp0:
0x14: {  	v5 =	vadd.s32 v1, v5;
	v1 =	vor.u32 s10, v0;
	s10 =	sadd.s32 $0x10, s10;
	(pc) =	sbr.rel @p0 .LBB2_2-.Ltmp0, $4  }
0x15: {  	v4 =	vshll.u32 v4, $0x3;
	v6 =	vmul.u32 $0x5556, v1;
	v7 =	vand.u32 $0xFFFFFFF8, v5  }
0x16: {  	s9 =	sadd.s32 $0x10, s9;
	v5 =	vand.u32 $0x7, v5;
	v7 =	vadd.s32 v4, v7;
	[tilespmem:v3+s7+$0x0] =	vst.idx.msk $0xffff, v2  }
0x17: {  	v4 =	vshrl.u32 v6, $0x10;
	v2 =	vld [tilespmem:s9+$0x0];
	v3 =	vor.u32 v5, v7  }
0x18: {  	v5 =	vmul.u32 $0xFFFFFFFD, v4  }
0x19: {  	_ =	sdelay $0x1  }
0x1a: {  	v1 =	vadd.s32 v1, v5  }
0x1b: {  	v4 =	vshll.u32 v4, $0x3;
	v5 =	vand.u32 $0xFFFFFFF8, v1  }
0x1c: {  	s9 =	sadd.s32 $0x10, s9;
	v1 =	vand.u32 $0x7, v1;
	v4 =	vadd.s32 v4, v5;
	[tilespmem:v3+s7+$0x0] =	vst.idx.msk $0xffff, v2  }
0x1d: {  	v2 =	vld [tilespmem:s9+$0x0];
	v1 =	vor.u32 v1, v4;
	_ =	sdelay $0x2  }
0x1e: {  	s8 =	sadd.s32 $0x1, s8  }
0x1f: {  	p0 =	sne.s32 s8, s5  }
.Ltmp1:
0x20: {  	[tilespmem:v1+s7+$0x0] =	vst.idx.msk $0xffff, v2;
	(pc) =	sbr.rel @p0 .LBB2_1-.Ltmp1, $4  }
0x21: {  	[hbm4b:s4+s2] =	stream.linear.scatter [tilespmem:s7], [sflag:$0x1], $0x6200, $0x38;
	[tilespmem:$0x86C0] =	vst v63  }
0x22: {  	_ =	swait.ge [sflag:s6], $0x6200  }
0x23: {  	[sflag:s6] =	ssyncset.done $0x0  }
0x24: {  	[sflag:s6] =	ssyncadd.s32 $0xFFFF9E00  }
0x25: {  	_ =	sfence.sel $0x180000  }
0x26: {  	[bflag:$0x0] =	sbarrier.arrive $0xFFFF  }
0x27: {  	p0 =	sne.s32 s0, $0x0;
	_ =	strace $0x90000047  }
0x28: {  	s0 =	sadd.s32 @!p0 $0x100000, s1;
	[bflag:$0x2] =	sbarrier.arrive $0xFFFF  }
0x29: {  	[sflag:s0] =	ssyncadd.tile.s32 @!p0 $0x1;
	_ =	shalt  }
.Lfunc_end2:
_tile_overlayer_lowered:
.L_overlay_start_2:
0x2a: {  	(tag) =	ssettag $0x2  }
0x2b: {  	s0 =	rddreg [dreg:$0x0];
	s2 =	stileid.u32  }
0x2c: {  	s1 =	rddreg [dreg:$0x1];
	p0 =	sne.s32 s2, $0x0  }
0x2d: {  	s3 =	rddreg [dreg:$0x2];
	[bflag:$0x3] =	sbarrier.arrive $0xFFFF;
	s2 =	simm.s32 @!p0 $0x1C01  }
0x2e: {  	[timem:s3], [sflag:s2] =	dma.local @!p0 [hbm:s0], s1  }
0x2f: {  	s0 =	simm.s32 @!p0 $0x1  }
0x30: {  	_ =	swait.ge @!p0 [sflag:s0], s1  }
0x31: {  	s1 =	ssub.s32 @!p0 $0x0, s1;
	[sflag:s0] =	ssyncset.done @!p0 $0x0  }
0x32: {  	[sflag:s0] =	ssyncadd.s32 @!p0 s1  }
0x33: {  	[bflag:$0x3] =	sbarrier.arrive $0xFFFF  }
0x34: {  	_ =	shalt  }

// kernel: kernel.7.cloned.1.call-start
scs
__scs_entry_jumppad:
0x0: {  	(pc) =	sbr.rel $0x88, $3  }
0x1: {  	(tag) =	ssettag $0x0;
	lr =	simm.s32 $0x1  }
0x2: {  	[smem:$0x3F9D] =	sst lr;
	_ =	strace $0xD0000000  }
0x3: {  	_ = 	snop  }
0x4: {  	_ = 	snop  }
0x5: {  	_ = 	snop  }
0x6: {  	_ = 	snop  }
0x7: {  	_ = 	snop  }
__scs_overlays_trampoline_lowered:
0x8: {  	[smem:$0x3FAC] =	sst s0  }
0x9: {  	[smem:$0x3FAD] =	sst s1  }
0xa: {  	[smem:$0x3FAE] =	sst s2  }
0xb: {  	[smem:$0x3FAF] =	sst s3  }
0xc: {  	[smem:$0x3FB0] =	sst s4  }
0xd: {  	[smem:$0x3FB1] =	sst s5  }
0xe: {  	[smem:$0x3FB2] =	sst s6  }
0xf: {  	[smem:$0x3FB3] =	sst s7  }
0x10: {  	[smem:$0x3FB4] =	sst s8  }
0x11: {  	[smem:$0x3FB5] =	sst s9;
	s0 =	simm.s32 @!p0 $0x0  }
0x12: {  	s1 =	sld [smem:$0x3F9B];
	s0 =	simm.s32 @p0 $0x1  }
0x13: {  	[smem:$0x3FB6] =	sst s0;
	s0 =	simm.s32 @!p1 $0x0  }
0x14: {  	s2 =	sld [smem:$0x3F9A];
	s0 =	simm.s32 @p1 $0x1  }
0x15: {  	[smem:$0x3FB7] =	sst s0;
	s0 =	simm.s32 @!p2 $0x0  }
0x16: {  	s3 =	sld [smem:$0x3FDB];
	s0 =	simm.s32 @p2 $0x1  }
0x17: {  	s4 =	simm.s32 $0x1BF5;
	[smem:$0x3FB9] =	sst s0  }
0x18: {  	s0 =	sld [smem:$0x3F9C];
	_ =	swait.ge [sflag:s4], $0x0  }
0x19: {  	s7 =	sld [smem:$0x3F9D]  }
0x1a: {  	s8 =	sadd.s32 $0xFFFFE003, lr  }
0x1b: {  	s9 =	sadd.s32 $0xFFFFFEF7, lr;
	s5 =	simm.s32 $0xFFFFFFFF;
	p2 =	slt.u32 s8, $0xFFFFF086  }
0x1c: {  	p1 =	slt.u32 s9, $0xF7A;
	s5 =	simm.s32 @!p2 $0x0  }
0x1d: {  	s5 =	simm.s32 @p1 $0x1;
	p0 =	seq.s32 s7, s2  }
0x1e: {  	s7 =	smul.u32 @!p0 $0xF7A, s2;
	p2 =	seq.s32 @!p0 s5, $0x0  }
0x1f: {  	s9 =	smul.u32 $0xF7A, s1;
	s8 =	simm.s32 @!p0 $0x1BF5;
	p2 =	por !p2, p0  }
0x20: {  	[sflag:s8] =	ssyncset.s32 @!p0 $0xFFFFF086;
	s6 =	sadd.s32 @!p0 s3, s7;
	s7 =	simm.s32 @!p0 $0x108  }
0x21: {  	s3 =	sadd.s32 s3, s9;
	s6 =	sadd.s32 @!p0 $0x88, s6;
	s7 =	simm.s32 @p2 $0x1082  }
0x22: {  	[simem:s7], [sflag:s8] =	dma.local @!p0 [hbm:s6], $0xF7A  }
0x23: {  	s9 =	sor.u32 $0xD0000000, s2;
	s6 =	simm.s32 $0x108;
	_ =	swait.ge @!p0 [sflag:s8], $0x0  }
0x24: {  	s3 =	sadd.s32 $0x88, s3;
	s6 =	simm.s32 @!p1 $0x1082;
	[sflag:s4] =	ssyncset.s32 $0xFFFFF086  }
0x25: {  	[simem:s6], [sflag:s4] =	dma.local [hbm:s3], $0xF7A  }
0x26: {  	[smem:$0x3F9D] =	sst s1;
	(tag) =	ssettag s2;
	_ =	strace s9  }
0x27: {  	s1 =	sld [smem:$0x3FAD]  }
0x28: {  	s2 =	sld [smem:$0x3FAE]  }
0x29: {  	s4 =	sld [smem:$0x3FB0]  }
0x2a: {  	p0 =	seq.s32 s5, $0x0;
	s5 =	sld [smem:$0x3FB1]  }
0x2b: {  	s6 =	sld [smem:$0x3FB2]  }
0x2c: {  	s7 =	sld [smem:$0x3FB3]  }
0x2d: {  	s3 =	simm.s32 $0x108;
	s8 =	sld [smem:$0x3FB4]  }
0x2e: {  	s3 =	simm.s32 @!p0 $0x1082;
	s9 =	sld [smem:$0x3FB5]  }
0x2f: {  	lr =	sadd.s32 s0, s3;
	s0 =	sld [smem:$0x3FAC]  }
0x30: {  	s3 =	sld [smem:$0x3FAF]  }
0x31: {  	[smem:$0x3FB8] =	sst s10  }
0x32: {  	s10 =	sld [smem:$0x3FB6];
	_ =	sdelay $0x3  }
0x33: {  	p0 =	seq.s32 s10, $0x1;
	s10 =	sld [smem:$0x3FB8];
	_ =	sdelay $0x3  }
0x34: {  	[smem:$0x3FB8] =	sst s10  }
0x35: {  	s10 =	sld [smem:$0x3FB7];
	_ =	sdelay $0x3  }
0x36: {  	p1 =	seq.s32 s10, $0x1;
	s10 =	sld [smem:$0x3FB8];
	_ =	sdelay $0x3  }
0x37: {  	[smem:$0x3FB8] =	sst s10  }
0x38: {  	s10 =	sld [smem:$0x3FB9]  }
0x39: {  	_ = 	snop;
	(pc) =	sbr.ind lr, $3  }
0x3a: {  	_ = 	snop  }
0x3b: {  	_ = 	snop  }
0x3c: {  	p2 =	seq.s32 s10, $0x1;
	s10 =	sld [smem:$0x3FB8]  }
0x3d: {  	_ =	shalt  }
0x3e: {  	_ =	shalt  }
0x3f: {  	_ =	shalt  }
0x40: {  	_ =	shalt  }
0x41: {  	_ =	shalt  }
0x42: {  	_ =	shalt  }
0x43: {  	_ =	shalt  }
0x44: {  	_ =	shalt  }
0x45: {  	_ =	shalt  }
0x46: {  	_ =	shalt  }
0x47: {  	_ =	shalt  }
0x48: {  	_ =	shalt  }
0x49: {  	_ =	shalt  }
0x4a: {  	_ =	shalt  }
0x4b: {  	_ =	shalt  }
0x4c: {  	_ =	shalt  }
0x4d: {  	_ =	shalt  }
0x4e: {  	_ =	shalt  }
0x4f: {  	_ =	shalt  }
0x50: {  	_ =	shalt  }
0x51: {  	_ =	shalt  }
0x52: {  	_ =	shalt  }
0x53: {  	_ =	shalt  }
0x54: {  	_ =	shalt  }
0x55: {  	_ =	shalt  }
0x56: {  	_ =	shalt  }
0x57: {  	_ =	shalt  }
0x58: {  	_ =	shalt  }
0x59: {  	_ =	shalt  }
0x5a: {  	_ =	shalt  }
0x5b: {  	_ =	shalt  }
0x5c: {  	_ =	shalt  }
0x5d: {  	_ =	shalt  }
0x5e: {  	_ =	shalt  }
0x5f: {  	_ =	shalt  }
0x60: {  	_ =	shalt  }
0x61: {  	_ =	shalt  }
0x62: {  	_ =	shalt  }
0x63: {  	_ =	shalt  }
0x64: {  	_ =	shalt  }
0x65: {  	_ =	shalt  }
0x66: {  	_ =	shalt  }
0x67: {  	_ =	shalt  }
0x68: {  	_ =	shalt  }
0x69: {  	_ =	shalt  }
0x6a: {  	_ =	shalt  }
0x6b: {  	_ =	shalt  }
0x6c: {  	_ =	shalt  }
0x6d: {  	_ =	shalt  }
0x6e: {  	_ =	shalt  }
0x6f: {  	_ =	shalt  }
0x70: {  	_ =	shalt  }
0x71: {  	_ =	shalt  }
0x72: {  	_ =	shalt  }
0x73: {  	_ =	shalt  }
0x74: {  	_ =	shalt  }
0x75: {  	_ =	shalt  }
0x76: {  	_ =	shalt  }
0x77: {  	_ =	shalt  }
0x78: {  	_ =	shalt  }
0x79: {  	_ =	shalt  }
0x7a: {  	_ =	shalt  }
0x7b: {  	_ =	shalt  }
0x7c: {  	_ =	shalt  }
0x7d: {  	_ =	shalt  }
0x7e: {  	_ =	shalt  }
0x7f: {  	_ =	shalt  }
0x80: {  	_ =	shalt  }
0x81: {  	_ =	shalt  }
0x82: {  	_ =	shalt  }
0x83: {  	_ =	shalt  }
0x84: {  	_ =	shalt  }
0x85: {  	_ =	shalt  }
0x86: {  	_ =	shalt  }
0x87: {  	_ =	shalt  }
.Lfunc_end0:
.L_simem_size_0:
called_computation.1_lowered:
.L_overlay_start_0:
0x88: {  	s2 =	sld [smem:$0x3FD9]  }
0x89: {  	s3 =	sld [smem:$0x3FFE];
	_ =	sdelay $0x1  }
0x8a: {  	s1 =	srdreg.scid  }
0x8b: {  	s0 =	sand.u32 $0x1, s1  }
0x8c: {  	s16 =	sshll.u32 s0, $0xA;
	s2 =	sadd.s32 s3, s2  }
0x8d: {  	s2 =	sadd.s32 s2, s16  }
0x8e: {  	[smem:$0x3FC4] =	sst s2  }
0x8f: {  	_ = 	snop  }
0x90: {  	(tm) =	ssettm $0x1  }
0x91: {  	s17 =	sld [smem:$0x3FFB];
	_ =	sdelay $0x3  }
0x92: {  	_ =	strace s17  }
0x93: {  	s2 =	sld [smem:$0x3FFC];
	_ =	sdelay $0x3  }
0x94: {  	_ =	strace s2  }
0x95: {  	s2 =	sld [smem:$0x3FFD];
	_ =	sdelay $0x3  }
0x96: {  	_ =	strace s2  }
0x97: {  	_ =	strace $0x8FFFFFFF  }
0x98: {  	s18 =	sld [smem:$0x3FDB];
	_ =	sdelay $0x1  }
0x99: {  	s19 =	simm.s32 $_scs_section_size  }
0x9a: {  	s4 =	simm.s32 $_size__tile_overlayer_lowered;
	s5 =	simm.s32 $_tile_overlayer_lowered  }
0x9b: {  	s22 =	simm.s32 $0x1BFF;
	s21 =	sshll.u32 s5, $0x1;
	s2 =	sadd.s32 s19, s18  }
0x9c: {  	s6 =	simm.s32 $0x0;
	s20 =	sshll.u32 s4, $0x1;
	s4 =	sadd.s32 s21, s2  }
0x9d: {  	[timem:s6], [sflag:s22] =	dma.local [hbm:s4], s20  }
0x9e: {  	_ =	swait.ge [sflag:s22], s20  }
0x9f: {  	s3 =	ssub.s32 $0x0, s20;
	[sflag:s22] =	ssyncset.done $0x0  }
0xa0: {  	[sflag:s22] =	ssyncadd.s32 s3;
	_ =	sdelay $0x1  }
0xa1: {  	s23 =	simm.s32 $0x1B8B  }
0xa2: {  	_ =	swait.ge [sflag:s23], $0x1  }
0xa3: {  	[sflag:s23] =	ssyncset.done $0x0  }
0xa4: {  	s25 =	simm.s32 $0x1B8E;
	s24 =	sld [smem:$0x3FFE];
	[sflag:s23] =	ssyncadd.s32 $0xFFFFFFFF  }
0xa5: {  	s26 =	simm.s32 $execute0_lowered;
	[smem:$0x3FD2] =	sst s25  }
0xa6: {  	s4 =	sshll.u32 s26, $0x1;
	_ =	strace $0x80000049;
	[dreg:$0x1] =	wrdreg $0xFFFFFFFF  }
0xa7: {  	s28 =	simm.s32 $_size_execute0_lowered;
	s2 =	sadd.s32 s2, s4;
	[dreg:$0x0] =	wrdreg $0x0  }
0xa8: {  	s4 =	sshll.u32 s28, $0x1;
	[dreg:$0x2] =	wrdreg s2  }
0xa9: {  	[dreg:$0x3] =	wrdreg s4  }
0xaa: {  	[dreg:$0x4] =	wrdreg $0xC0  }
0xab: {  	_ =	task [dreg:s6], $0x5FFFF  }
0xac: {  	[dreg:$0x1] =	wrdreg $0xFFFFFFFF  }
0xad: {  	[dreg:$0x0] =	wrdreg $0x60  }
0xae: {  	[dreg:$0x2] =	wrdreg s24  }
0xaf: {  	[dreg:$0x3] =	wrdreg $0x9  }
0xb0: {  	_ =	task.clear_ibuf [dreg:s6], $0x4FFFF;
	_ =	strace $0x90000049  }
0xb1: {  	s29 =	simm.s32 $0x9;
	_ =	strace $0x8000004B  }
0xb2: {  	_ =	swait.ge [sflag:s29], $0x1  }
0xb3: {  	[sflag:s29] =	ssyncadd.s32 $0xFFFFFFFF  }
0xb4: {  	_ =	strace $0x9000004B  }
0xb5: {  	_ =	sfence  }
0xb6: {  	s30 =	sld [smem:$0x0];
	_ =	sdelay $0x2  }
0xb7: {  	s31 =	sshll.u32 s1, $0xD;
	s1 =	sshrl.u32 s1, $0x2  }
0xb8: {  	s3 =	sand.u32 $0x4000, s31;
	s1 =	sadd.s32 s1, s30  }
0xb9: {  	s0 =	sor.u32 s3, s0;
	s1 =	sshll.u32 s1, $0x11  }
0xba: {  	s0 =	sor.u32 s1, s0  }
0xbb: {  	s0 =	sadd.s32 $0x8F2B, s0  }
0xbc: {  	[sflag:s0] =	ssyncadd.remote.s32 $0x1  }
0xbd: {  	_ =	sfence.sel $0xFFFF  }
0xbe: {  	[dreg:$0x0] =	wrdreg $0xFFFFFFFF;
	(pc) =	sbr.abs _section_cstart, $3  }
0xbf: {  	[dreg:$0x1] =	wrdreg $0xFFFFFFFF  }
0xc0: {  	_ =	task.clear_ibuf [dreg:s6], $0x2FFFF;
	_ =	strace $0x9FFFFFFF  }
0xc1: {  	(tm) =	ssettm $0x7FFFFFFF  }
tec
execute0_lowered:
.L_overlay_start_1:
0x0: {  	(tag) =	ssettag $0x1  }
0x1: {  	s1 =	srdreg.scid  }
0x2: {  	s0 =	stileid.u32;
	s8 =	rddreg [dreg:$0x0];
	s2 =	simm.s32 $0x0  }
0x3: {  	s12 =	simm.s32 $0x640;
	s13 =	simm.s32 $0x1900;
	s14 =	simm.s32 $0x7D00  }
0x4: {  	s15 =	simm.s32 $0x4B00;
	s16 =	simm.s32 $0x12C0;
	s17 =	simm.s32 $0xAF00  }
0x5: {  	s18 =	simm.s32 $0xE100;
	s19 =	simm.s32 $0xED80;
	s20 =	simm.s32 $0x1  }
0x6: {  	s21 =	simm.s32 $0x2;
	s22 =	simm.s32 $0xFA00;
	s23 =	simm.s32 $0x0  }
0x7: {  	s3 =	sand.u32 $0x1, s1;
	s4 =	sshll.u32 s0, $0x1;
	s1 =	rddreg [dreg:$0x1]  }
0x8: {  	[smem:$0x7FF] =	sst s2;
	s6 =	sor.u32 s3, s4;
	s5 =	ssub.s32 $0x2, s3  }
0x9: {  	_ =	strace $0x8000004A;
	s4 =	smul.u32 $0x190, s6;
	s7 =	sshrl.u32 s5, $0x1  }
0xa: {  	s3 =	sadd.s32 $0x9400, s8;
	s11 =	sshll.u32 s6, $0x1;
	s10 =	ssub.s32 s5, s7  }
0xb: {  	s9 =	sadd.s32 s4, s8;
	s8 =	sadd.s32 s8, s11;
	s11 =	simm.s32 $0xC80  }
0xc: {  	v0 =	vlaneseq.u32;
	s4 =	sadd.s32 $0x21C00, s9;
	s5 =	sadd.s32 $0x24E00, s9;
	s6 =	sadd.s32 $0x28000, s9  }
0xd: {  	v0 =	vmul.u32 $0x8, v0;
	s7 =	sadd.s32 $0x2B200, s9;
	s9 =	smax.u32 s10, $0x1;
	s10 =	simm.s32 $0x3  }
.LBB2_1:
0xe: {  	[tilespmem:s2], [sflag:$0x3] =	stream.linear.gather [hbm4b:s4+s2], $0xC80, $0x38;
	[tilespmem:$0xFA10] =	vst v63  }
0xf: {  	_ =	swait.ge [sflag:s10], $0xC80  }
0x10: {  	[sflag:s10] =	ssyncset.done $0x0  }
0x11: {  	[sflag:s10] =	ssyncadd.s32 $0xFFFFF380  }
0x12: {  	[tilespmem:s11], [sflag:$0x3] =	stream.linear.gather [hbm4b:s5+s2], $0xC80, $0x38;
	[tilespmem:$0xFA10] =	vst v63  }
0x13: {  	_ =	swait.ge [sflag:s10], $0xC80  }
0x14: {  	[sflag:s10] =	ssyncset.done $0x0  }
0x15: {  	[sflag:s10] =	ssyncadd.s32 $0xFFFFF380  }
0x16: {  	[tilespmem:s13], [sflag:$0x1] =	stream.indirect.gather [hbm4b:s3+s12], $0x8, s2, s12, $0xb8;
	[tilespmem:$0xFA10] =	vst v63  }
0x17: {  	_ = 	snop  }
0x18: {  	[tilespmem:s14], [sflag:$0x1] =	stream.indirect.gather [hbm4b:s3+s12], $0x8, s11, s12, $0xb8;
	[tilespmem:$0xFA10] =	vst v63  }
0x19: {  	_ = 	snop  }
0x1a: {  	[tilespmem:s15], [sflag:$0x2] =	stream.indirect.gather [hbm4b:s3+s12], $0x8, s12, s12, $0xb8;
	[tilespmem:$0xFA10] =	vst v63  }
0x1b: {  	_ = 	snop  }
0x1c: {  	[tilespmem:s17], [sflag:$0x2] =	stream.indirect.gather [hbm4b:s3+s12], $0x8, s16, s12, $0xb8;
	[tilespmem:$0xFA10] =	vst v63  }
0x1d: {  	_ = 	snop  }
0x1e: {  	[tilespmem:s18], [sflag:$0x3] =	stream.linear.gather [hbm4b:s6+s2], $0xC80, $0x38;
	[tilespmem:$0xFA10] =	vst v63  }
0x1f: {  	_ =	swait.ge [sflag:s10], $0xC80  }
0x20: {  	[sflag:s10] =	ssyncset.done $0x0  }
0x21: {  	[sflag:s10] =	ssyncadd.s32 $0xFFFFF380  }
0x22: {  	[tilespmem:s19], [sflag:$0x3] =	stream.linear.gather [hbm4b:s7+s2], $0xC80, $0x38;
	[tilespmem:$0xFA10] =	vst v63  }
0x23: {  	_ =	swait.ge [sflag:s10], $0xC80  }
0x24: {  	s24 =	simm.s32 $0x10;
	[sflag:s10] =	ssyncset.done $0x0  }
0x25: {  	v1 =	vmov s24;
	[sflag:s10] =	ssyncadd.s32 $0xFFFFF380  }
0x26: {  	v1 =	vshll.u32 v1, $0x3;
	_ =	swait.ge [sflag:s20], $0x3200  }
0x27: {  	v1 =	vor.u32 v0, v1;
	[sflag:s20] =	ssyncset.done $0x0  }
0x28: {  	[sflag:s20] =	ssyncadd.s32 $0xFFFFCE00  }
0x29: {  	s25 =	simm.s32 $0x0;
	v2 =	vor.u32 $0x2, v1;
	_ =	swait.ge [sflag:s20], $0x3200  }
0x2a: {  	v3 =	vmov s25;
	v4 =	vor.u32 $0x1, v1;
	[sflag:s20] =	ssyncset.done $0x0  }
0x2b: {  	v3 =	vshll.u32 v3, $0x3;
	[sflag:s20] =	ssyncadd.s32 $0xFFFFCE00  }
0x2c: {  	v3 =	vor.u32 v0, v3;
	v5 =	vld.idx.msk [tilespmem:v1+s13+$0x0], $0xffff  }
0x2d: {  	v1 =	vld.idx.msk [tilespmem:v1+s14+$0x0], $0xffff  }
0x2e: {  	v6 =	vor.u32 $0x1, v3;
	v7 =	vld.idx.msk [tilespmem:v2+s13+$0x0], $0xffff  }
0x2f: {  	v8 =	vld.idx.msk [tilespmem:v4+s13+$0x0], $0xffff  }
0x30: {  	v9 =	vor.u32 $0x2, v3;
	v4 =	vld.idx.msk [tilespmem:v4+s14+$0x0], $0xffff  }
0x31: {  	v10 =	vld.idx.msk [tilespmem:v3+s13+$0x0], $0xffff  }
0x32: {  	v3 =	vld.idx.msk [tilespmem:v3+s14+$0x0], $0xffff  }
0x33: {  	v11 =	vld.idx.msk [tilespmem:v6+s13+$0x0], $0xffff  }
0x34: {  	v6 =	vld.idx.msk [tilespmem:v6+s14+$0x0], $0xffff  }
0x35: {  	v12 =	vld.idx.msk [tilespmem:v9+s13+$0x0], $0xffff  }
0x36: {  	v9 =	vld.idx.msk [tilespmem:v9+s14+$0x0], $0xffff  }
0x37: {  	v2 =	vld.idx.msk [tilespmem:v2+s14+$0x0], $0xffff;
	_ =	sdelay $0x2  }
0x38: {  	v3 =	vsub.f32 v10, v3;
	v6 =	vsub.f32 v11, v6  }
0x39: {  	s26 =	simm.s32 $0x30;
	v1 =	vsub.f32 v5, v1;
	v4 =	vsub.f32 v8, v4  }
0x3a: {  	v10 =	vmov s26;
	v5 =	vsub.f32 v12, v9;
	v2 =	vsub.f32 v7, v2  }
0x3b: {  	v8 =	vshll.u32 v10, $0x3;
	v3 =	vmul.f32 v3, v3;
	v6 =	vmul.f32 v6, v6  }
0x3c: {  	v1 =	vmul.f32 v1, v1;
	v4 =	vmul.f32 v4, v4;
	v7 =	vor.u32 v0, v8  }
0x3d: {  	v5 =	vmul.f32 v5, v5;
	v3 =	vadd.f32 v6, v3  }
0x3e: {  	s29 =	simm.s32 $0x20;
	v2 =	vmul.f32 v2, v2;
	v1 =	vadd.f32 v4, v1;
	v4 =	vor.u32 $0x2, v7  }
0x3f: {  	v6 =	vmov s29;
	v11 =	vadd.f32 v5, v3  }
0x40: {  	v3 =	vshll.u32 v6, $0x3;
	v5 =	vor.u32 $0x1, v7;
	v24 =	vadd.f32 v2, v1  }
0x41: {  	v1 =	vor.u32 v0, v3;
	v3 =	vld.idx.msk [tilespmem:v7+s13+$0x0], $0xffff;
	v6 =	vshra.s32 v11, $0x1;
	v8 =	vmul.f32 $5.000000000e-01, v11  }
0x42: {  	v7 =	vld.idx.msk [tilespmem:v7+s14+$0x0], $0xffff;
	v2 =	vsub.s32 $0x5F3759DF, v6  }
0x43: {  	v13 =	vld.idx.msk [tilespmem:v4+s13+$0x0], $0xffff;
	v6 =	vmul.f32 v2, v8  }
0x44: {  	v9 =	vshra.s32 v24, $0x1;
	v10 =	vmul.f32 $5.000000000e-01, v24;
	v16 =	vor.u32 $0x2, v1;
	v4 =	vld.idx.msk [tilespmem:v4+s14+$0x0], $0xffff  }
0x45: {  	v12 =	vor.u32 $0x1, v1;
	v9 =	vsub.s32 $0x5F3759DF, v9;
	v15 =	vld.idx.msk [tilespmem:v5+s13+$0x0], $0xffff;
	v6 =	vmul.f32 v2, v6  }
0x46: {  	v14 =	vmul.f32 v9, v10;
	v5 =	vld.idx.msk [tilespmem:v5+s14+$0x0], $0xffff  }
0x47: {  	v17 =	vld.idx.msk [tilespmem:v1+s13+$0x0], $0xffff;
	v6 =	vsub.f32 $1.500000000e+00, v6  }
0x48: {  	v14 =	vmul.f32 v9, v14;
	v18 =	vld.idx.msk [tilespmem:v1+s14+$0x0], $0xffff  }
0x49: {  	v20 =	vld.idx.msk [tilespmem:v16+s13+$0x0], $0xffff;
	v2 =	vmul.f32 v2, v6  }
0x4a: {  	v1 =	vsub.f32 $1.500000000e+00, v14;
	v6 =	vld.idx.msk [tilespmem:v12+s13+$0x0], $0xffff  }
0x4b: {  	v12 =	vld.idx.msk [tilespmem:v12+s14+$0x0], $0xffff;
	v19 =	vmul.f32 v2, v8  }
0x4c: {  	s31 =	simm.s32 $0x40;
	v16 =	vld.idx.msk [tilespmem:v16+s14+$0x0], $0xffff;
	v9 =	vmul.f32 v9, v1  }
0x4d: {  	s30 =	simm.s32 $0x50;
	v21 =	vmov s31;
	v3 =	vsub.f32 v3, v7;
	v19 =	vmul.f32 v19, v2  }
0x4e: {  	v14 =	vmov s30;
	v13 =	vsub.f32 v13, v4;
	v22 =	vmul.f32 v9, v10  }
0x4f: {  	v3 =	vmul.f32 v3, v3;
	v7 =	vsub.f32 v15, v5;
	v15 =	vsub.f32 $1.500000000e+00, v19  }
0x50: {  	v17 =	vsub.f32 v17, v18;
	v6 =	vsub.f32 v6, v12;
	v19 =	vmul.f32 v22, v9  }
0x51: {  	v14 =	vshll.u32 v14, $0x3;
	v12 =	vsub.f32 v20, v16;
	v15 =	vmul.f32 v15, v2  }
0x52: {  	v16 =	vmul.f32 v17, v17;
	v6 =	vmul.f32 v6, v6;
	v2 =	vsub.f32 $1.500000000e+00, v19  }
0x53: {  	v23 =	vor.u32 v0, v14;
	v7 =	vmul.f32 v7, v7;
	v4 =	vmul.f32 v15, v8  }
0x54: {  	v18 =	vmul.f32 v2, v9;
	v2 =	vadd.f32 v6, v16;
	v6 =	vmul.f32 v12, v12  }
0x55: {  	s25 =	simm.s32 $0xE110;
	v14 =	vshll.u32 v21, $0x3;
	v3 =	vadd.f32 v7, v3;
	v8 =	vmul.f32 v4, v15  }
0x56: {  	s24 =	simm.s32 $0xED90;
	v25 =	vld [tilespmem:s25+$0xFFFFFFF0];
	v10 =	vmul.f32 v18, v10;
	v2 =	vadd.f32 v6, v2;
	v6 =	vmul.f32 v13, v13  }
0x57: {  	v5 =	vor.u32 $0x2, v23;
	v20 =	vor.u32 $0x1, v23;
	v9 =	vld [tilespmem:s24+$0xFFFFFFF0];
	v13 =	vsub.f32 $1.500000000e+00, v8  }
0x58: {  	v12 =	vld.idx.msk [tilespmem:v23+s13+$0x0], $0xffff;
	v10 =	vmul.f32 v10, v18;
	v16 =	vshra.s32 v2, $0x1;
	v3 =	vadd.f32 v6, v3  }
0x59: {  	v14 =	vor.u32 v0, v14;
	v4 =	vld [tilespmem:s24+$0x0];
	v7 =	vmul.f32 $5.000000000e-01, v2;
	v17 =	vsub.s32 $0x5F3759DF, v16  }
0x5a: {  	v8 =	vld [tilespmem:s25+$0x0];
	v15 =	vmul.f32 v13, v15;
	v19 =	vsub.f32 $1.500000000e+00, v10;
	v16 =	vshra.s32 v3, $0x1  }
0x5b: {  	v13 =	vld.idx.msk [tilespmem:v23+s14+$0x0], $0xffff;
	v21 =	vmul.f32 v17, v7;
	v6 =	vmul.f32 $5.000000000e-01, v3;
	v16 =	vsub.s32 $0x5F3759DF, v16  }
0x5c: {  	v10 =	vld.idx.msk [tilespmem:v5+s13+$0x0], $0xffff;
	v11 =	vmul.f32 v15, v11;
	v26 =	vmul.f32 v19, v18;
	v19 =	vor.u32 $0x1, v14  }
0x5d: {  	v1 =	vimm.f32 $0.0e+00;
	v18 =	vld.idx.msk [tilespmem:v20+s13+$0x0], $0xffff;
	v23 =	vmul.f32 v17, v21;
	v22 =	vmul.f32 v16, v6  }
0x5e: {  	s28 =	simm.s32 $0x70;
	s26 =	simm.s32 $0x4;
	v21 =	vor.u32 $0x2, v14;
	v20 =	vld.idx.msk [tilespmem:v20+s14+$0x0], $0xffff;
	v15 =	vsub.f32 v11, v25;
	v11 =	vmul.f32 v26, v24  }
.LBB2_2:
0x5f: {  	v24 =	vmov s28;
	v25 =	vld.idx.msk [tilespmem:v14+s13+$0x0], $0xffff;
	v23 =	vsub.f32 $1.500000000e+00, v23;
	v22 =	vmul.f32 v16, v22  }
0x60: {  	v9 =	vmul.f32 $5.000000000e-01, v9;
	v14 =	vld.idx.msk [tilespmem:v14+s14+$0x0], $0xffff;
	v15 =	vmul.f32 v15, v15;
	v8 =	vsub.f32 v11, v8  }
0x61: {  	v4 =	vmul.f32 $5.000000000e-01, v4;
	v11 =	vld.idx.msk [tilespmem:v19+s13+$0x0], $0xffff;
	v17 =	vmul.f32 v17, v23;
	v22 =	vsub.f32 $1.500000000e+00, v22  }
0x62: {  	s29 =	sadd.s32 $0xFFFFFFF0, s28;
	v23 =	vshll.u32 v24, $0x3;
	v19 =	vld.idx.msk [tilespmem:v19+s14+$0x0], $0xffff;
	v9 =	vmul.f32 v15, v9;
	v8 =	vmul.f32 v8, v8  }
0x63: {  	v15 =	vmov s29;
	v24 =	vld.idx.msk [tilespmem:v21+s13+$0x0], $0xffff;
	v26 =	vmul.f32 v17, v7;
	v16 =	vmul.f32 v16, v22  }
0x64: {  	v22 =	vor.u32 v0, v23;
	v21 =	vld.idx.msk [tilespmem:v21+s14+$0x0], $0xffff;
	v1 =	vadd.f32 v9, v1;
	v4 =	vmul.f32 v8, v4  }
0x65: {  	v8 =	vshll.u32 v15, $0x3;
	v9 =	vld.idx.msk [tilespmem:v5+s14+$0x0], $0xffff;
	v15 =	vmul.f32 v26, v17;
	v23 =	vmul.f32 v16, v6  }
0x66: {  	v12 =	vsub.f32 v12, v13;
	v5 =	vor.u32 $0x2, v22;
	v1 =	vadd.f32 v4, v1  }
0x67: {  	v4 =	vsub.f32 v18, v20;
	v13 =	vsub.f32 $1.500000000e+00, v15;
	v15 =	vmul.f32 v23, v16  }
0x68: {  	v14 =	vsub.f32 v25, v14;
	v20 =	vor.u32 $0x1, v22;
	v11 =	vsub.f32 v11, v19  }
0x69: {  	v12 =	vmul.f32 v12, v12;
	v13 =	vmul.f32 v13, v17;
	v15 =	vsub.f32 $1.500000000e+00, v15  }
0x6a: {  	v14 =	vmul.f32 v14, v14;
	v17 =	vsub.f32 v24, v21;
	v11 =	vmul.f32 v11, v11  }
0x6b: {  	v9 =	vsub.f32 v10, v9;
	v7 =	vmul.f32 v13, v7;
	v15 =	vmul.f32 v15, v16  }
0x6c: {  	s24 =	sadd.s32 $0x20, s24;
	v10 =	vadd.f32 v11, v14;
	v11 =	vmul.f32 v17, v17;
	v16 =	vmul.f32 v4, v4  }
0x6d: {  	v14 =	vor.u32 v0, v8;
	v7 =	vmul.f32 v7, v13;
	v6 =	vmul.f32 v15, v6;
	v4 =	vld [tilespmem:s24+$0x0]  }
0x6e: {  	s25 =	sadd.s32 $0x20, s25;
	v11 =	vadd.f32 v11, v10;
	v10 =	vadd.f32 v16, v12;
	v12 =	vmul.f32 v9, v9;
	v9 =	vld [tilespmem:s24+$0xFFFFFFF0]  }
0x6f: {  	s26 =	sadd.s32 $0x2, s26;
	v19 =	vor.u32 $0x1, v14;
	v16 =	vsub.f32 $1.500000000e+00, v7;
	v6 =	vmul.f32 v6, v15;
	v8 =	vld [tilespmem:s25+$0x0]  }
0x70: {  	p0 =	slt.u32 s26, $0x62;
	v17 =	vshra.s32 v11, $0x1;
	v7 =	vmul.f32 $5.000000000e-01, v11;
	v24 =	vadd.f32 v12, v10;
	v25 =	vld [tilespmem:s25+$0xFFFFFFF0]  }
.Ltmp0:
0x71: {  	v17 =	vsub.s32 $0x5F3759DF, v17;
	v12 =	vld.idx.msk [tilespmem:v22+s13+$0x0], $0xffff;
	v18 =	vmul.f32 v16, v13;
	v21 =	vsub.f32 $1.500000000e+00, v6;
	(pc) =	sbr.rel @p0 .LBB2_2-.Ltmp0, $4  }
0x72: {  	v16 =	vshra.s32 v24, $0x1;
	v6 =	vmul.f32 $5.000000000e-01, v24;
	v13 =	vld.idx.msk [tilespmem:v22+s14+$0x0], $0xffff;
	v22 =	vmul.f32 v17, v7  }
0x73: {  	v16 =	vsub.s32 $0x5F3759DF, v16;
	v10 =	vld.idx.msk [tilespmem:v5+s13+$0x0], $0xffff;
	v26 =	vmul.f32 v18, v2;
	v27 =	vmul.f32 v21, v15;
	v2 =	vmovc v11  }
0x74: {  	v18 =	vld.idx.msk [tilespmem:v20+s13+$0x0], $0xffff;
	v23 =	vmul.f32 v17, v22;
	v22 =	vmul.f32 v16, v6  }
0x75: {  	s28 =	sadd.s32 $0x20, s28;
	v21 =	vor.u32 $0x2, v14;
	v20 =	vld.idx.msk [tilespmem:v20+s14+$0x0], $0xffff;
	v15 =	vsub.f32 v26, v25;
	v11 =	vmul.f32 v27, v3;
	v3 =	vmovc v24  }
0x76: {  	_ =	sdelay $0x3  }
0x77: {  	v24 =	vld.idx.msk [tilespmem:v14+s13+$0x0], $0xffff  }
0x78: {  	v14 =	vld.idx.msk [tilespmem:v14+s14+$0x0], $0xffff  }
0x79: {  	v25 =	vld.idx.msk [tilespmem:v19+s13+$0x0], $0xffff  }
0x7a: {  	v19 =	vld.idx.msk [tilespmem:v19+s14+$0x0], $0xffff  }
0x7b: {  	v26 =	vld.idx.msk [tilespmem:v21+s13+$0x0], $0xffff  }
0x7c: {  	v21 =	vld.idx.msk [tilespmem:v21+s14+$0x0], $0xffff  }
0x7d: {  	v5 =	vld.idx.msk [tilespmem:v5+s14+$0x0], $0xffff  }
0x7e: {  	v23 =	vsub.f32 $1.500000000e+00, v23  }
0x7f: {  	v14 =	vsub.f32 v24, v14;
	v19 =	vsub.f32 v25, v19  }
0x80: {  	v22 =	vmul.f32 v16, v22;
	v12 =	vsub.f32 v12, v13;
	v13 =	vsub.f32 v18, v20  }
0x81: {  	v18 =	vsub.f32 v26, v21;
	v14 =	vmul.f32 v14, v14;
	v19 =	vmul.f32 v19, v19  }
0x82: {  	v17 =	vmul.f32 v17, v23;
	v12 =	vmul.f32 v12, v12;
	v5 =	vsub.f32 v10, v5  }
0x83: {  	v13 =	vmul.f32 v13, v13;
	v10 =	vadd.f32 v19, v14;
	v14 =	vmul.f32 v18, v18  }
0x84: {  	v18 =	vsub.f32 $1.500000000e+00, v22;
	v19 =	vmul.f32 v17, v7  }
0x85: {  	s25 =	sadd.s32 $0x20, s25;
	v5 =	vmul.f32 v5, v5;
	v14 =	vadd.f32 v14, v10;
	v10 =	vadd.f32 v13, v12  }
0x86: {  	s30 =	sadd.s32 $0x20, s25;
	v12 =	vmul.f32 v16, v18;
	v13 =	vmul.f32 v19, v17  }
0x87: {  	v28 =	vld [tilespmem:s30+$0x0];
	v19 =	vshra.s32 v14, $0x1;
	v20 =	vmul.f32 $5.000000000e-01, v14;
	v5 =	vadd.f32 v5, v10  }
0x88: {  	v29 =	vld [tilespmem:s30+$0xFFFFFFF0];
	v10 =	vmul.f32 v12, v6;
	v13 =	vsub.f32 $1.500000000e+00, v13;
	v19 =	vsub.s32 $0x5F3759DF, v19  }
0x89: {  	v21 =	vld [tilespmem:s25+$0x0];
	v23 =	vmul.f32 v19, v20;
	v50 =	vshra.s32 v5, $0x1;
	v51 =	vmul.f32 $5.000000000e-01, v5  }
0x8a: {  	s24 =	sadd.s32 $0x20, s24;
	v22 =	vld [tilespmem:s25+$0xFFFFFFF0];
	v52 =	vmul.f32 v10, v12;
	v13 =	vmul.f32 v13, v17;
	v17 =	vsub.s32 $0x5F3759DF, v50  }
0x8b: {  	s31 =	simm.s32 $0x650;
	v16 =	vld [tilespmem:s24+$0x0];
	v23 =	vmul.f32 v19, v23;
	v24 =	vmul.f32 v17, v51  }
0x8c: {  	v9 =	vmul.f32 $5.000000000e-01, v9;
	v30 =	vmov s31;
	v18 =	vld [tilespmem:s24+$0xFFFFFFF0];
	s24 =	sadd.s32 $0x20, s24;
	v26 =	vsub.f32 $1.500000000e+00, v52  }
0x8d: {  	v15 =	vmul.f32 v15, v15;
	v27 =	vld [tilespmem:s24+$0xFFFFFFF0];
	v23 =	vsub.f32 $1.500000000e+00, v23;
	v24 =	vmul.f32 v17, v24  }
0x8e: {  	v53 =	vshll.u32 v30, $0x3;
	v10 =	vld [tilespmem:s24+$0x0];
	_ =	swait.ge [sflag:s21], $0x3200;
	v7 =	vmul.f32 v13, v7;
	v12 =	vmul.f32 v26, v12  }
0x8f: {  	v54 =	vor.u32 v0, v53;
	[sflag:s21] =	ssyncset.done $0x0;
	v19 =	vmul.f32 v19, v23;
	v23 =	vsub.f32 $1.500000000e+00, v24  }
0x90: {  	v31 =	vor.u32 $0x1, v54;
	s25 =	simm.s32 $0x640;
	[sflag:s21] =	ssyncadd.s32 $0xFFFFCE00;
	v7 =	vmul.f32 v7, v13;
	v6 =	vmul.f32 v12, v6  }
0x91: {  	v56 =	vmov s25;
	_ =	swait.ge [sflag:s21], $0x3200;
	v55 =	vmul.f32 v19, v20;
	v17 =	vmul.f32 v17, v23  }
0x92: {  	v30 =	vshll.u32 v56, $0x3;
	[sflag:s21] =	ssyncset.done $0x0;
	v23 =	vor.u32 $0x2, v54;
	v6 =	vmul.f32 v6, v12  }
0x93: {  	[sflag:s21] =	ssyncadd.s32 $0xFFFFCE00;
	v7 =	vsub.f32 $1.500000000e+00, v7;
	v26 =	vmul.f32 v55, v19;
	v32 =	vmul.f32 v17, v51  }
0x94: {  	v8 =	vsub.f32 v11, v8;
	v11 =	vor.u32 v0, v30;
	v57 =	vld.idx.msk [tilespmem:v54+s13+$0x0], $0xffff;
	v6 =	vsub.f32 $1.500000000e+00, v6  }
0x95: {  	v24 =	vld.idx.msk [tilespmem:v54+s14+$0x0], $0xffff;
	v7 =	vmul.f32 v7, v13;
	v13 =	vsub.f32 $1.500000000e+00, v26;
	v58 =	vmul.f32 v32, v17  }
0x96: {  	v9 =	vmul.f32 v15, v9;
	v59 =	vld.idx.msk [tilespmem:v31+s14+$0x0], $0xffff;
	v6 =	vmul.f32 v6, v12;
	v12 =	vor.u32 $0x1, v11  }
0x97: {  	v2 =	vmul.f32 v7, v2;
	v15 =	vld.idx.msk [tilespmem:v23+s13+$0x0], $0xffff;
	v7 =	vmul.f32 v13, v19;
	v13 =	vsub.f32 $1.500000000e+00, v58  }
0x98: {  	v4 =	vmul.f32 $5.000000000e-01, v4;
	v19 =	vld.idx.msk [tilespmem:v31+s13+$0x0], $0xffff;
	v3 =	vmul.f32 v6, v3;
	v6 =	vor.u32 $0x2, v11  }
0x99: {  	v2 =	vsub.f32 v2, v22;
	v20 =	vmul.f32 v7, v20;
	v13 =	vmul.f32 v13, v17;
	v17 =	vld.idx.msk [tilespmem:v11+s13+$0x0], $0xffff  }
0x9a: {  	v8 =	vmul.f32 v8, v8;
	v18 =	vmul.f32 $5.000000000e-01, v18;
	v11 =	vld.idx.msk [tilespmem:v11+s14+$0x0], $0xffff  }
0x9b: {  	v1 =	vadd.f32 v9, v1;
	v2 =	vmul.f32 v2, v2;
	v9 =	vmul.f32 v20, v7;
	v20 =	vld.idx.msk [tilespmem:v12+s13+$0x0], $0xffff  }
0x9c: {  	v4 =	vmul.f32 v8, v4;
	v3 =	vsub.f32 v3, v21;
	v8 =	vmul.f32 v13, v51;
	v12 =	vld.idx.msk [tilespmem:v12+s14+$0x0], $0xffff  }
0x9d: {  	v16 =	vmul.f32 $5.000000000e-01, v16;
	v2 =	vmul.f32 v2, v18;
	v18 =	vld.idx.msk [tilespmem:v6+s13+$0x0], $0xffff;
	v9 =	vsub.f32 $1.500000000e+00, v9  }
0x9e: {  	v1 =	vadd.f32 v4, v1;
	v3 =	vmul.f32 v3, v3;
	v6 =	vld.idx.msk [tilespmem:v6+s14+$0x0], $0xffff;
	v4 =	vmul.f32 v8, v13  }
0x9f: {  	v8 =	vld.idx.msk [tilespmem:v23+s14+$0x0], $0xffff;
	v7 =	vmul.f32 v9, v7  }
0xa0: {  	v1 =	vadd.f32 v2, v1;
	v2 =	vmul.f32 v3, v16;
	v3 =	vsub.f32 $1.500000000e+00, v4  }
0xa1: {  	s26 =	simm.s32 $0x670;
	v9 =	vsub.f32 v20, v12;
	v4 =	vmul.f32 v7, v14;
	v7 =	vsub.f32 v17, v11  }
0xa2: {  	v12 =	vsub.f32 v57, v24;
	v11 =	vmov s26;
	v14 =	vsub.f32 v19, v59  }
0xa3: {  	v6 =	vsub.f32 v18, v6;
	v9 =	vmul.f32 v9, v9;
	v7 =	vmul.f32 v7, v7  }
0xa4: {  	v11 =	vshll.u32 v11, $0x3;
	v12 =	vmul.f32 v12, v12;
	v8 =	vsub.f32 v15, v8  }
0xa5: {  	s29 =	simm.s32 $0x660;
	v6 =	vmul.f32 v6, v6;
	v7 =	vadd.f32 v9, v7;
	v9 =	vmul.f32 v14, v14  }
0xa6: {  	v3 =	vmul.f32 v3, v13;
	v13 =	vmov s29;
	v11 =	vor.u32 v0, v11  }
0xa7: {  	v16 =	vadd.f32 v6, v7;
	v6 =	vadd.f32 v9, v12;
	v7 =	vmul.f32 v8, v8  }
0xa8: {  	v8 =	vshll.u32 v13, $0x3;
	v9 =	vor.u32 $0x2, v11;
	v12 =	vor.u32 $0x1, v11  }
0xa9: {  	v13 =	vshra.s32 v16, $0x1;
	v14 =	vmul.f32 $5.000000000e-01, v16;
	v60 =	vadd.f32 v7, v6  }
0xaa: {  	v10 =	vmul.f32 $5.000000000e-01, v10;
	v6 =	vor.u32 v0, v8;
	v7 =	vsub.s32 $0x5F3759DF, v13  }
0xab: {  	v8 =	vld.idx.msk [tilespmem:v11+s13+$0x0], $0xffff;
	v13 =	vmul.f32 v7, v14;
	v15 =	vshra.s32 v60, $0x1;
	v17 =	vmul.f32 $5.000000000e-01, v60  }
0xac: {  	v4 =	vsub.f32 v4, v29;
	v3 =	vmul.f32 v3, v5;
	v11 =	vld.idx.msk [tilespmem:v11+s14+$0x0], $0xffff;
	v15 =	vsub.s32 $0x5F3759DF, v15  }
0xad: {  	v18 =	vor.u32 $0x1, v6;
	v19 =	vld.idx.msk [tilespmem:v9+s13+$0x0], $0xffff;
	v13 =	vmul.f32 v7, v13;
	v20 =	vmul.f32 v15, v17  }
0xae: {  	v5 =	vmul.f32 $5.000000000e-01, v27;
	v4 =	vmul.f32 v4, v4;
	v3 =	vsub.f32 v3, v28;
	v21 =	vld.idx.msk [tilespmem:v12+s13+$0x0], $0xffff  }
0xaf: {  	v22 =	vor.u32 $0x2, v6;
	v12 =	vld.idx.msk [tilespmem:v12+s14+$0x0], $0xffff;
	v13 =	vsub.f32 $1.500000000e+00, v13;
	v20 =	vmul.f32 v15, v20  }
0xb0: {  	v1 =	vadd.f32 v2, v1;
	v2 =	vmul.f32 v4, v5;
	v3 =	vmul.f32 v3, v3;
	v5 =	vld.idx.msk [tilespmem:v6+s13+$0x0], $0xffff  }
0xb1: {  	v6 =	vld.idx.msk [tilespmem:v6+s14+$0x0], $0xffff;
	v7 =	vmul.f32 v7, v13;
	v4 =	vsub.f32 $1.500000000e+00, v20  }
0xb2: {  	s30 =	simm.s32 $0x690;
	v1 =	vadd.f32 v2, v1;
	v2 =	vmul.f32 v3, v10;
	v3 =	vld.idx.msk [tilespmem:v18+s13+$0x0], $0xffff  }
0xb3: {  	v10 =	vmov s30;
	v13 =	vld.idx.msk [tilespmem:v18+s14+$0x0], $0xffff;
	v18 =	vmul.f32 v7, v14;
	v15 =	vmul.f32 v15, v4  }
0xb4: {  	v1 =	vadd.f32 v2, v1;
	v2 =	vshll.u32 v10, $0x3;
	v10 =	vld.idx.msk [tilespmem:v22+s13+$0x0], $0xffff  }
0xb5: {  	v20 =	vld.idx.msk [tilespmem:v22+s14+$0x0], $0xffff;
	v18 =	vmul.f32 v18, v7;
	v22 =	vmul.f32 v15, v17  }
0xb6: {  	v23 =	vor.u32 v0, v2;
	v2 =	vld.idx.msk [tilespmem:v9+s14+$0x0], $0xffff;
	v8 =	vsub.f32 v8, v11  }
0xb7: {  	s31 =	simm.s32 $0x680;
	v9 =	vsub.f32 v21, v12;
	v11 =	vsub.f32 $1.500000000e+00, v18;
	v12 =	vmul.f32 v22, v15  }
0xb8: {  	v4 =	vmov s31;
	v5 =	vsub.f32 v5, v6;
	v3 =	vsub.f32 v3, v13  }
0xb9: {  	v6 =	vmul.f32 v8, v8;
	v18 =	vmul.f32 v11, v7;
	v7 =	vsub.f32 $1.500000000e+00, v12  }
0xba: {  	v5 =	vmul.f32 v5, v5;
	v8 =	vsub.f32 v10, v20;
	v3 =	vmul.f32 v3, v3  }
0xbb: {  	v10 =	vsub.f32 v19, v2;
	v2 =	vmul.f32 v18, v14;
	v19 =	vmul.f32 v7, v15  }
0xbc: {  	v3 =	vadd.f32 v3, v5;
	v5 =	vmul.f32 v8, v8;
	v8 =	vmul.f32 v9, v9  }
0xbd: {  	s25 =	simm.s32 $0xE750;
	v61 =	vshll.u32 v4, $0x3;
	v11 =	vmul.f32 v2, v18;
	v12 =	vmul.f32 v19, v17  }
0xbe: {  	s24 =	simm.s32 $0xF3D0;
	v62 =	vld [tilespmem:s25+$0xFFFFFFF0];
	v2 =	vadd.f32 v5, v3;
	v3 =	vadd.f32 v8, v6;
	v6 =	vmul.f32 v10, v10  }
0xbf: {  	v4 =	vor.u32 $0x2, v23;
	v20 =	vor.u32 $0x1, v23;
	v9 =	vld [tilespmem:s24+$0xFFFFFFF0];
	v10 =	vsub.f32 $1.500000000e+00, v11  }
0xc0: {  	v7 =	vld [tilespmem:s24+$0x0];
	v12 =	vmul.f32 v12, v19;
	v13 =	vshra.s32 v2, $0x1;
	v3 =	vadd.f32 v6, v3  }
0xc1: {  	v14 =	vor.u32 v0, v61;
	v15 =	vld.idx.msk [tilespmem:v23+s14+$0x0], $0xffff;
	v5 =	vmul.f32 $5.000000000e-01, v2;
	v13 =	vsub.s32 $0x5F3759DF, v13  }
0xc2: {  	v8 =	vld [tilespmem:s25+$0x0];
	v17 =	vmul.f32 v10, v18;
	v18 =	vsub.f32 $1.500000000e+00, v12;
	v12 =	vshra.s32 v3, $0x1  }
0xc3: {  	v11 =	vld.idx.msk [tilespmem:v23+s13+$0x0], $0xffff;
	v21 =	vmul.f32 v13, v5;
	v6 =	vmul.f32 $5.000000000e-01, v3;
	v12 =	vsub.s32 $0x5F3759DF, v12  }
0xc4: {  	v10 =	vld.idx.msk [tilespmem:v4+s13+$0x0], $0xffff;
	v16 =	vmul.f32 v17, v16;
	v63 =	vmul.f32 v18, v19;
	v18 =	vor.u32 $0x1, v14  }
0xc5: {  	v17 =	vld.idx.msk [tilespmem:v20+s13+$0x0], $0xffff;
	v21 =	vmul.f32 v13, v21;
	v22 =	vmul.f32 v12, v6  }
0xc6: {  	s28 =	simm.s32 $0x6B0;
	s26 =	simm.s32 $0x68;
	v23 =	vor.u32 $0x2, v14;
	v20 =	vld.idx.msk [tilespmem:v20+s14+$0x0], $0xffff;
	v19 =	vsub.f32 v16, v62;
	v16 =	vmul.f32 v63, v60  }
.LBB2_4:
0xc7: {  	v24 =	vmov s28;
	v25 =	vld.idx.msk [tilespmem:v14+s13+$0x0], $0xffff;
	v21 =	vsub.f32 $1.500000000e+00, v21;
	v22 =	vmul.f32 v12, v22  }
0xc8: {  	v9 =	vmul.f32 $5.000000000e-01, v9;
	v14 =	vld.idx.msk [tilespmem:v14+s14+$0x0], $0xffff;
	v19 =	vmul.f32 v19, v19;
	v8 =	vsub.f32 v16, v8  }
0xc9: {  	v7 =	vmul.f32 $5.000000000e-01, v7;
	v16 =	vld.idx.msk [tilespmem:v18+s13+$0x0], $0xffff;
	v13 =	vmul.f32 v13, v21;
	v21 =	vsub.f32 $1.500000000e+00, v22  }
0xca: {  	s29 =	sadd.s32 $0xFFFFFFF0, s28;
	v22 =	vshll.u32 v24, $0x3;
	v18 =	vld.idx.msk [tilespmem:v18+s14+$0x0], $0xffff;
	v9 =	vmul.f32 v19, v9;
	v8 =	vmul.f32 v8, v8  }
0xcb: {  	v19 =	vmov s29;
	v24 =	vld.idx.msk [tilespmem:v23+s13+$0x0], $0xffff;
	v26 =	vmul.f32 v13, v5;
	v12 =	vmul.f32 v12, v21  }
0xcc: {  	v21 =	vor.u32 v0, v22;
	v22 =	vld.idx.msk [tilespmem:v23+s14+$0x0], $0xffff;
	v1 =	vadd.f32 v9, v1;
	v7 =	vmul.f32 v8, v7  }
0xcd: {  	v8 =	vshll.u32 v19, $0x3;
	v9 =	vld.idx.msk [tilespmem:v4+s14+$0x0], $0xffff;
	v19 =	vmul.f32 v26, v13;
	v23 =	vmul.f32 v12, v6  }
0xce: {  	v11 =	vsub.f32 v11, v15;
	v4 =	vor.u32 $0x2, v21;
	v1 =	vadd.f32 v7, v1  }
0xcf: {  	v7 =	vsub.f32 v17, v20;
	v15 =	vsub.f32 $1.500000000e+00, v19;
	v17 =	vmul.f32 v23, v12  }
0xd0: {  	v14 =	vsub.f32 v25, v14;
	v19 =	vor.u32 $0x1, v21;
	v16 =	vsub.f32 v16, v18  }
0xd1: {  	v11 =	vmul.f32 v11, v11;
	v15 =	vmul.f32 v15, v13;
	v13 =	vsub.f32 $1.500000000e+00, v17  }
0xd2: {  	v14 =	vmul.f32 v14, v14;
	v17 =	vsub.f32 v24, v22;
	v16 =	vmul.f32 v16, v16  }
0xd3: {  	v9 =	vsub.f32 v10, v9;
	v5 =	vmul.f32 v15, v5;
	v20 =	vmul.f32 v13, v12  }
0xd4: {  	s24 =	sadd.s32 $0x20, s24;
	v10 =	vadd.f32 v16, v14;
	v12 =	vmul.f32 v17, v17;
	v13 =	vmul.f32 v7, v7  }
0xd5: {  	v14 =	vor.u32 v0, v8;
	v5 =	vmul.f32 v5, v15;
	v6 =	vmul.f32 v20, v6;
	v7 =	vld [tilespmem:s24+$0x0]  }
0xd6: {  	s25 =	sadd.s32 $0x20, s25;
	v16 =	vadd.f32 v12, v10;
	v10 =	vadd.f32 v13, v11;
	v11 =	vmul.f32 v9, v9;
	v9 =	vld [tilespmem:s24+$0xFFFFFFF0]  }
0xd7: {  	s26 =	sadd.s32 $0x2, s26;
	v18 =	vor.u32 $0x1, v14;
	v12 =	vsub.f32 $1.500000000e+00, v5;
	v6 =	vmul.f32 v6, v20;
	v8 =	vld [tilespmem:s25+$0x0]  }
0xd8: {  	p0 =	slt.u32 s26, $0xC6;
	v13 =	vshra.s32 v16, $0x1;
	v5 =	vmul.f32 $5.000000000e-01, v16;
	v24 =	vadd.f32 v11, v10;
	v25 =	vld [tilespmem:s25+$0xFFFFFFF0]  }
.Ltmp1:
0xd9: {  	v13 =	vsub.s32 $0x5F3759DF, v13;
	v11 =	vld.idx.msk [tilespmem:v21+s13+$0x0], $0xffff;
	v17 =	vmul.f32 v12, v15;
	v22 =	vsub.f32 $1.500000000e+00, v6;
	(pc) =	sbr.rel @p0 .LBB2_4-.Ltmp1, $4  }
0xda: {  	v12 =	vshra.s32 v24, $0x1;
	v6 =	vmul.f32 $5.000000000e-01, v24;
	v15 =	vld.idx.msk [tilespmem:v21+s14+$0x0], $0xffff;
	v21 =	vmul.f32 v13, v5  }
0xdb: {  	v12 =	vsub.s32 $0x5F3759DF, v12;
	v10 =	vld.idx.msk [tilespmem:v4+s13+$0x0], $0xffff;
	v26 =	vmul.f32 v17, v2;
	v27 =	vmul.f32 v22, v20;
	v2 =	vmovc v16  }
0xdc: {  	v22 =	vmul.f32 v12, v6;
	v17 =	vld.idx.msk [tilespmem:v19+s13+$0x0], $0xffff;
	v21 =	vmul.f32 v13, v21  }
0xdd: {  	s28 =	sadd.s32 $0x20, s28;
	v23 =	vor.u32 $0x2, v14;
	v20 =	vld.idx.msk [tilespmem:v19+s14+$0x0], $0xffff;
	v19 =	vsub.f32 v26, v25;
	v16 =	vmul.f32 v27, v3;
	v3 =	vmovc v24  }
0xde: {  	_ =	sdelay $0x3  }
0xdf: {  	v24 =	vld.idx.msk [tilespmem:v14+s13+$0x0], $0xffff  }
0xe0: {  	v56 =	vld.idx.msk [tilespmem:v14+s14+$0x0], $0xffff  }
0xe1: {  	v25 =	vld.idx.msk [tilespmem:v18+s13+$0x0], $0xffff  }
0xe2: {  	v57 =	vld.idx.msk [tilespmem:v18+s14+$0x0], $0xffff  }
0xe3: {  	v26 =	vld.idx.msk [tilespmem:v23+s13+$0x0], $0xffff  }
0xe4: {  	v58 =	vld.idx.msk [tilespmem:v23+s14+$0x0], $0xffff  }
0xe5: {  	v4 =	vld.idx.msk [tilespmem:v4+s14+$0x0], $0xffff;
	_ =	sdelay $0x1  }
0xe6: {  	v14 =	vsub.f32 v24, v56;
	v18 =	vsub.f32 v25, v57  }
0xe7: {  	v11 =	vsub.f32 v11, v15;
	v59 =	vsub.f32 v17, v20  }
0xe8: {  	v60 =	vsub.f32 v26, v58;
	v14 =	vmul.f32 v14, v14;
	v18 =	vmul.f32 v18, v18  }
0xe9: {  	v11 =	vmul.f32 v11, v11;
	v4 =	vsub.f32 v10, v4  }
0xea: {  	v15 =	vmul.f32 v59, v59;
	v62 =	vmul.f32 v60, v60;
	v61 =	vadd.f32 v18, v14;
	_ =	sdelay $0x1  }
0xeb: {  	v4 =	vmul.f32 v4, v4;
	v11 =	vadd.f32 v15, v11;
	v10 =	vadd.f32 v62, v61;
	_ =	sdelay $0x1  }
0xec: {  	v4 =	vadd.f32 v4, v11;
	v14 =	vshra.s32 v10, $0x1;
	v63 =	vmul.f32 $5.000000000e-01, v10  }
0xed: {  	v24 =	vsub.f32 $1.500000000e+00, v21;
	v25 =	vmul.f32 v12, v22;
	v14 =	vsub.s32 $0x5F3759DF, v14  }
0xee: {  	v27 =	vshra.s32 v4, $0x1;
	v28 =	vmul.f32 $5.000000000e-01, v4;
	v26 =	vmul.f32 v14, v63  }
0xef: {  	v29 =	vsub.f32 $1.500000000e+00, v25;
	v11 =	vmul.f32 v13, v24;
	v30 =	vsub.s32 $0x5F3759DF, v27  }
0xf0: {  	v20 =	vmul.f32 v30, v28;
	v18 =	vmul.f32 v14, v26  }
0xf1: {  	v32 =	vmul.f32 v12, v29;
	v31 =	vmul.f32 v11, v5  }
0xf2: {  	v34 =	vmul.f32 v30, v20;
	v33 =	vsub.f32 $1.500000000e+00, v18  }
0xf3: {  	v36 =	vmul.f32 v32, v6;
	v35 =	vmul.f32 v31, v11  }
0xf4: {  	v37 =	vsub.f32 $1.500000000e+00, v34;
	v13 =	vmul.f32 v14, v33  }
0xf5: {  	v9 =	vmul.f32 $5.000000000e-01, v9;
	v39 =	vmul.f32 v36, v32;
	v38 =	vsub.f32 $1.500000000e+00, v35  }
0xf6: {  	v14 =	vmul.f32 v30, v37;
	v40 =	vmul.f32 v13, v63  }
0xf7: {  	v7 =	vmul.f32 $5.000000000e-01, v7;
	v41 =	vsub.f32 $1.500000000e+00, v39;
	v11 =	vmul.f32 v38, v11  }
0xf8: {  	v43 =	vmul.f32 v14, v28;
	v42 =	vmul.f32 v40, v13  }
0xf9: {  	v12 =	vmul.f32 v41, v32;
	v44 =	vmul.f32 v11, v5  }
0xfa: {  	v45 =	vmul.f32 v19, v19;
	v46 =	vmul.f32 v43, v14;
	v18 =	vsub.f32 $1.500000000e+00, v42  }
0xfb: {  	v47 =	vmul.f32 v12, v6;
	v5 =	vmul.f32 v44, v11  }
0xfc: {  	s24 =	sadd.s32 $0x20, s24;
	v8 =	vsub.f32 v16, v8;
	v48 =	vsub.f32 $1.500000000e+00, v46;
	v13 =	vmul.f32 v18, v13  }
0xfd: {  	s25 =	sadd.s32 $0x20, s25;
	v49 =	vld [tilespmem:s24+$0x0];
	v9 =	vmul.f32 v45, v9;
	v6 =	vmul.f32 v47, v12;
	v5 =	vsub.f32 $1.500000000e+00, v5  }
0xfe: {  	v50 =	vld [tilespmem:s25+$0xFFFFFFF0];
	v14 =	vmul.f32 v48, v14;
	v15 =	vmul.f32 v13, v63  }
0xff: {  	v51 =	vld [tilespmem:s24+$0xFFFFFFF0];
	v8 =	vmul.f32 v8, v8;
	v6 =	vsub.f32 $1.500000000e+00, v6;
	v5 =	vmul.f32 v5, v11  }
0x100: {  	v52 =	vld [tilespmem:s25+$0x0];
	v53 =	vmul.f32 v14, v28;
	v15 =	vmul.f32 v15, v13  }
0x101: {  	v54 =	vmul.f32 v6, v12;
	v2 =	vmul.f32 v5, v2  }
0x102: {  	s25 =	sadd.s32 $0x20, s25;
	v1 =	vadd.f32 v9, v1;
	v56 =	vmul.f32 v53, v14;
	v55 =	vsub.f32 $1.500000000e+00, v15  }
0x103: {  	s24 =	sadd.s32 $0x20, s24;
	v7 =	vmul.f32 v8, v7;
	v57 =	vld [tilespmem:s25+$0xFFFFFFF0];
	v3 =	vmul.f32 v54, v3;
	v2 =	vsub.f32 v2, v50  }
0x104: {  	v58 =	vmul.f32 $5.000000000e-01, v51;
	v59 =	vld [tilespmem:s24+$0xFFFFFFF0];
	v9 =	vsub.f32 $1.500000000e+00, v56;
	v6 =	vmul.f32 v55, v13  }
0x105: {  	v60 =	vmul.f32 $5.000000000e-01, v49;
	v61 =	vld [tilespmem:s25+$0x0];
	v3 =	vsub.f32 v3, v52;
	v2 =	vmul.f32 v2, v2  }
0x106: {  	v62 =	vld [tilespmem:s24+$0x0];
	v9 =	vmul.f32 v9, v14;
	v6 =	vmul.f32 v6, v10  }
0x107: {  	v1 =	vadd.f32 v7, v1;
	v3 =	vmul.f32 v3, v3;
	v2 =	vmul.f32 v2, v58  }
0x108: {  	v4 =	vmul.f32 v9, v4;
	v5 =	vsub.f32 v6, v57  }
0x109: {  	v1 =	vadd.f32 v2, v1;
	v2 =	vmul.f32 v3, v60  }
0x10a: {  	v3 =	vmul.f32 $5.000000000e-01, v59;
	v4 =	vsub.f32 v4, v61;
	v5 =	vmul.f32 v5, v5  }
0x10b: {  	v63 =	vmul.f32 $5.000000000e-01, v62  }
0x10c: {  	v1 =	vadd.f32 v2, v1;
	v2 =	vmul.f32 v5, v3;
	v3 =	vmul.f32 v4, v4;
	_ =	sdelay $0x1  }
0x10d: {  	v1 =	vadd.f32 v2, v1;
	v2 =	vmul.f32 v3, v63;
	_ =	sdelay $0x1  }
0x10e: {  	s23 =	sadd.s32 $0x1, s23;
	v1 =	vadd.f32 v2, v1  }
0x10f: {  	p0 =	sne.s32 s23, s9  }
.Ltmp2:
0x110: {  	[tilespmem:$0xFA00] =	vst v1;
	(pc) =	sbr.rel @p0 .LBB2_1-.Ltmp2, $4  }
0x111: {  	[hbm4b:s8+s2] =	stream.linear.scatter [tilespmem:s22], [sflag:$0x3], $0x10, $0x38;
	[tilespmem:$0xFA10] =	vst v63  }
0x112: {  	_ =	swait.ge [sflag:s10], $0x10  }
0x113: {  	[sflag:s10] =	ssyncset.done $0x0  }
0x114: {  	[sflag:s10] =	ssyncadd.s32 $0xFFFFFFF0  }
0x115: {  	_ =	sfence.sel $0x180000  }
0x116: {  	[bflag:$0x0] =	sbarrier.arrive $0xFFFF  }
0x117: {  	p0 =	sne.s32 s0, $0x0;
	_ =	strace $0x9000004A  }
0x118: {  	s0 =	sadd.s32 @!p0 $0x100000, s1;
	[bflag:$0x2] =	sbarrier.arrive $0xFFFF  }
0x119: {  	[sflag:s0] =	ssyncadd.tile.s32 @!p0 $0x1;
	_ =	shalt  }
.Lfunc_end2:
_tile_overlayer_lowered:
.L_overlay_start_2:
0x11a: {  	(tag) =	ssettag $0x2  }
0x11b: {  	s0 =	rddreg [dreg:$0x0];
	s2 =	stileid.u32  }
0x11c: {  	s1 =	rddreg [dreg:$0x1];
	p0 =	sne.s32 s2, $0x0  }
0x11d: {  	s3 =	rddreg [dreg:$0x2];
	[bflag:$0x3] =	sbarrier.arrive $0xFFFF;
	s2 =	simm.s32 @!p0 $0x1C03  }
0x11e: {  	[timem:s3], [sflag:s2] =	dma.local @!p0 [hbm:s0], s1  }
0x11f: {  	s0 =	simm.s32 @!p0 $0x3  }
0x120: {  	_ =	swait.ge @!p0 [sflag:s0], s1  }
0x121: {  	s1 =	ssub.s32 @!p0 $0x0, s1;
	[sflag:s0] =	ssyncset.done @!p0 $0x0  }
0x122: {  	[sflag:s0] =	ssyncadd.s32 @!p0 s1  }
0x123: {  	[bflag:$0x3] =	sbarrier.arrive $0xFFFF  }
0x124: {  	_ =	shalt  }

</sc_bundles>
